<compile_context>
chip_gen: v7x
topology: tpu7x:2x2x1
jax: 0.10.2.dev20260603
libtpu: 0.0.44.dev20260713+nightly
codegen_flags: <defaults>
</compile_context>

<pallas_src>
import functools

import jax
import jax.numpy as jnp
from jax import lax
from jax.experimental import pallas as pl
from jax.experimental.pallas import tpu as pltpu
from jax.experimental.pallas import tpu_sc as plsc

_BATCH = 16384

_info = plsc.get_sparse_core_info()
_NC = _info.num_cores
_NS = _info.num_subcores
_NW = _NC * _NS
_B_PER_W = _BATCH // _NW
_CHUNK = 128
_NCHUNK = _B_PER_W // _CHUNK
_LANES = 16


_FLAT_BLK = 507904


_TH_BLK = 131072


def _flatten_pair_body(th_ref, be_ref, oth_ref, obe_ref):
    i = pl.program_id(0)

    @pl.when(i == 0)
    def _():
        oth_ref[...] = th_ref[...].reshape(oth_ref.shape)

    obe_ref[...] = be_ref[...].reshape(obe_ref.shape)


def _flatten_pair(theta_t, beta_t):
    nt = theta_t.shape[1]
    nb = beta_t.shape[1]
    return pl.pallas_call(
        _flatten_pair_body,
        grid=(pl.cdiv(nb, _FLAT_BLK),),
        in_specs=[
            pl.BlockSpec((1, _TH_BLK), lambda i: (0, 0)),
            pl.BlockSpec((1, _FLAT_BLK), lambda i: (0, i)),
        ],
        out_specs=[
            pl.BlockSpec((_TH_BLK,), lambda i: (0,)),
            pl.BlockSpec((_FLAT_BLK,), lambda i: (i,)),
        ],
        out_shape=[
            jax.ShapeDtypeStruct((nt,), jnp.float32),
            jax.ShapeDtypeStruct((nb,), jnp.float32),
        ],
    )(theta_t, beta_t)


@functools.partial(
    pl.kernel,
    mesh=plsc.VectorSubcoreMesh(core_axis_name="c", subcore_axis_name="s"),
    out_type=jax.ShapeDtypeStruct((_BATCH,), jnp.float32),
    scratch_types=[
        pltpu.VMEM((_B_PER_W,), jnp.int32),
        pltpu.VMEM((_B_PER_W,), jnp.int32),
        pltpu.VMEM((_B_PER_W,), jnp.float32),
        pltpu.VMEM((_B_PER_W,), jnp.float32),
        [pltpu.SemaphoreType.DMA] * _NCHUNK,
        [pltpu.SemaphoreType.DMA] * _NCHUNK,
        [pltpu.SemaphoreType.DMA] * _NCHUNK,
        [pltpu.SemaphoreType.DMA] * _NCHUNK,
        pltpu.SemaphoreType.DMA,
    ],
)
def _irt_sc(aidx_hbm, tidx_hbm, th_hbm, be_hbm, out_hbm,
            aidx_v, tidx_v, th_v, be_v, sems_ai, sems_ti, sems_th, sems_be,
            sem_o):
    wid = lax.axis_index("s") * _NC + lax.axis_index("c")
    base = wid * _B_PER_W

    ai_cps, ti_cps = [], []
    for j in range(_NCHUNK):
        sl = pl.ds(j * _CHUNK, _CHUNK)
        hsl = pl.ds(base + j * _CHUNK, _CHUNK)
        ai_cps.append(
            pltpu.async_copy(aidx_hbm.at[hsl], aidx_v.at[sl], sems_ai[j]))
        ti_cps.append(
            pltpu.async_copy(tidx_hbm.at[hsl], tidx_v.at[sl], sems_ti[j]))
    th_cps, be_cps = [], []
    for j in range(_NCHUNK):
        sl = pl.ds(j * _CHUNK, _CHUNK)
        ai_cps[j].wait()
        th_cps.append(
            pltpu.async_copy(th_hbm.at[aidx_v.at[sl]], th_v.at[sl], sems_th[j]))
        ti_cps[j].wait()
        be_cps.append(
            pltpu.async_copy(be_hbm.at[tidx_v.at[sl]], be_v.at[sl], sems_be[j]))

    out_cps = []
    for j in range(_NCHUNK):
        th_cps[j].wait()
        be_cps[j].wait()
        for i in range(_CHUNK // _LANES):
            sl = pl.ds(j * _CHUNK + i * _LANES, _LANES)
            th_v[sl] = th_v[sl] - be_v[sl]
        sl = pl.ds(j * _CHUNK, _CHUNK)
        out_cps.append(
            pltpu.async_copy(
                th_v.at[sl], out_hbm.at[pl.ds(base + j * _CHUNK, _CHUNK)],
                sem_o))
    for cp in out_cps:
        cp.wait()


def kernel(agent_idx, task_idx, theta, beta):
    agent_idx = agent_idx.astype(jnp.int32)
    task_idx = task_idx.astype(jnp.int32)
    th_flat, be_flat = _flatten_pair(theta.T, beta.T)
    return _irt_sc(agent_idx, task_idx, th_flat, be_flat)

# --- scband reference (transcript-rebuilt; emitter-appended) ---
"""Pipeline reference for scband-standard-irt-11416023072790 (READ-ONLY COPY).

The authoritative reference and input builder live on the scoring server;
editing this copy changes nothing except your own understanding.
"""

import jax, jax.numpy as jnp
import numpy as np

NUM_AGENTS = 100000
NUM_TASKS = 1000000
BATCH = 16384

def setup_inputs(seed: int = 0) -> dict:
    key = jax.random.key(seed)
    k1, k2, k3, k4 = jax.random.split(key, 4)
    agent_idx = jax.random.randint(k1, (BATCH,), 0, NUM_AGENTS, dtype=jnp.int64) if jax.config.jax_enable_x64 else jax.random.randint(k1, (BATCH,), 0, NUM_AGENTS, dtype=jnp.int32)
    task_idx = jax.random.randint(k2, (BATCH,), 0, NUM_TASKS, dtype=jnp.int32)
    theta = jax.random.normal(k3, (NUM_AGENTS, 1), dtype=jnp.float32) * 0.1
    beta = jax.random.normal(k4, (NUM_TASKS, 1), dtype=jnp.float32) * 0.1
    return {"agent_idx": agent_idx, "task_idx": task_idx, "theta": theta, "beta": beta}

def reference(agent_idx, task_idx, theta, beta):
    # theta lookup: gather rows from ability table
    th = jnp.take(theta, agent_idx, axis=0)  # [B, 1]
    # beta lookup: gather rows from difficulty table
    be = jnp.take(beta, task_idx, axis=0)    # [B, 1]
    logits = th - be                         # [B, 1]
    return jnp.squeeze(logits, axis=-1)      # [B]

if __name__ == "__main__":
    import jax
    _d = setup_inputs()
    print(jax.jit(kernel)(*tuple(_d.values())))

</pallas_src>

<mosaic_0001>
#map = affine_map<(d0, d1) -> (0)>
module attributes {stable_mosaic.version = 14 : i64} {
  func.func @_irt_sc(%arg0: i32, %arg1: i32, %arg2: memref<16384xi32, #tpu.memory_space<hbm>>, %arg3: memref<16384xi32, #tpu.memory_space<hbm>>, %arg4: memref<100000xf32, #tpu.memory_space<hbm>>, %arg5: memref<1000000xf32, #tpu.memory_space<hbm>>, %arg6: memref<16384xf32, #tpu.memory_space<hbm>>, %arg7: memref<512xi32, #tpu.memory_space<vmem>>, %arg8: memref<512xi32, #tpu.memory_space<vmem>>, %arg9: memref<512xf32, #tpu.memory_space<vmem>>, %arg10: memref<512xf32, #tpu.memory_space<vmem>>, %arg11: memref<!tpu.dma_semaphore, #tpu.memory_space<semaphore_mem>>, %arg12: memref<!tpu.dma_semaphore, #tpu.memory_space<semaphore_mem>>, %arg13: memref<!tpu.dma_semaphore, #tpu.memory_space<semaphore_mem>>, %arg14: memref<!tpu.dma_semaphore, #tpu.memory_space<semaphore_mem>>, %arg15: memref<!tpu.dma_semaphore, #tpu.memory_space<semaphore_mem>>, %arg16: memref<!tpu.dma_semaphore, #tpu.memory_space<semaphore_mem>>, %arg17: memref<!tpu.dma_semaphore, #tpu.memory_space<semaphore_mem>>, %arg18: memref<!tpu.dma_semaphore, #tpu.memory_space<semaphore_mem>>, %arg19: memref<!tpu.dma_semaphore, #tpu.memory_space<semaphore_mem>>, %arg20: memref<!tpu.dma_semaphore, #tpu.memory_space<semaphore_mem>>, %arg21: memref<!tpu.dma_semaphore, #tpu.memory_space<semaphore_mem>>, %arg22: memref<!tpu.dma_semaphore, #tpu.memory_space<semaphore_mem>>, %arg23: memref<!tpu.dma_semaphore, #tpu.memory_space<semaphore_mem>>, %arg24: memref<!tpu.dma_semaphore, #tpu.memory_space<semaphore_mem>>, %arg25: memref<!tpu.dma_semaphore, #tpu.memory_space<semaphore_mem>>, %arg26: memref<!tpu.dma_semaphore, #tpu.memory_space<semaphore_mem>>, %arg27: memref<!tpu.dma_semaphore, #tpu.memory_space<semaphore_mem>>) attributes {dimension_semantics = [#tpu.dimension_semantics<core_parallel>, #tpu.dimension_semantics<subcore_parallel>], iteration_bounds = array<i64: 2, 16>, scalar_prefetch = 0 : i64, scratch_operands = 21 : i64, tpu.core_type = #tpu.core_type<sc_vector_subcore>, window_params = [{transform_indices = #map}, {transform_indices = #map}, {transform_indices = #map}, {transform_indices = #map}, {transform_indices = #map}]} {
    %mul3A = arith.constant 2 : i32
    %mul3A_0 = arith.muli %arg1, %mul3A : i32
    %add3A = arith.addi %mul3A_0, %arg0 : i32
    %mul3A_1 = arith.constant 512 : i32
    %mul3A_2 = arith.muli %add3A, %mul3A_1 : i32
    %add3A_3 = arith.constant 0 : i32
    %add3A_4 = arith.addi %mul3A_2, %add3A_3 : i32
    %dma_start3A = arith.constant 0 : i32
    %dma_start3A_5 = tpu.memref_slice %arg7[%dma_start3A] : memref<512xi32, #tpu.memory_space<vmem>> -> memref<128xi32, #tpu.memory_space<vmem>>
    %dma_start3A_6 = tpu.memref_slice %arg2[%add3A_4] : memref<16384xi32, #tpu.memory_space<hbm>> -> memref<128xi32, #tpu.memory_space<hbm>>
    %dma_start3A_7 = arith.constant 0 : i32
    %dma_start3A_8 = tpu.memref_slice %arg7[%dma_start3A_7] : memref<512xi32, #tpu.memory_space<vmem>> -> memref<128xi32, #tpu.memory_space<vmem>>
    %dma_start3A_9 = tpu.memref_slice %arg2[%add3A_4] : memref<16384xi32, #tpu.memory_space<hbm>> -> memref<128xi32, #tpu.memory_space<hbm>>
    tpu.enqueue_dma source(%dma_start3A_9 : memref<128xi32, #tpu.memory_space<hbm>>) target(%dma_start3A_8 : memref<128xi32, #tpu.memory_space<vmem>>) target_semaphore(%arg11 : memref<!tpu.dma_semaphore, #tpu.memory_space<semaphore_mem>>)
    %dma_start3A_10 = arith.constant 0 : i32
    %dma_start3A_11 = tpu.memref_slice %arg8[%dma_start3A_10] : memref<512xi32, #tpu.memory_space<vmem>> -> memref<128xi32, #tpu.memory_space<vmem>>
    %dma_start3A_12 = tpu.memref_slice %arg3[%add3A_4] : memref<16384xi32, #tpu.memory_space<hbm>> -> memref<128xi32, #tpu.memory_space<hbm>>
    %dma_start3A_13 = arith.constant 0 : i32
    %dma_start3A_14 = tpu.memref_slice %arg8[%dma_start3A_13] : memref<512xi32, #tpu.memory_space<vmem>> -> memref<128xi32, #tpu.memory_space<vmem>>
    %dma_start3A_15 = tpu.memref_slice %arg3[%add3A_4] : memref<16384xi32, #tpu.memory_space<hbm>> -> memref<128xi32, #tpu.memory_space<hbm>>
    tpu.enqueue_dma source(%dma_start3A_15 : memref<128xi32, #tpu.memory_space<hbm>>) target(%dma_start3A_14 : memref<128xi32, #tpu.memory_space<vmem>>) target_semaphore(%arg15 : memref<!tpu.dma_semaphore, #tpu.memory_space<semaphore_mem>>)
    %add3A_16 = arith.constant 128 : i32
    %add3A_17 = arith.addi %mul3A_2, %add3A_16 : i32
    %dma_start3A_18 = arith.constant 128 : i32
    %dma_start3A_19 = tpu.memref_slice %arg7[%dma_start3A_18] : memref<512xi32, #tpu.memory_space<vmem>> -> memref<128xi32, #tpu.memory_space<vmem>>
    %dma_start3A_20 = tpu.memref_slice %arg2[%add3A_17] : memref<16384xi32, #tpu.memory_space<hbm>> -> memref<128xi32, #tpu.memory_space<hbm>>
    %dma_start3A_21 = arith.constant 128 : i32
    %dma_start3A_22 = tpu.memref_slice %arg7[%dma_start3A_21] : memref<512xi32, #tpu.memory_space<vmem>> -> memref<128xi32, #tpu.memory_space<vmem>>
    %dma_start3A_23 = tpu.memref_slice %arg2[%add3A_17] : memref<16384xi32, #tpu.memory_space<hbm>> -> memref<128xi32, #tpu.memory_space<hbm>>
    tpu.enqueue_dma source(%dma_start3A_23 : memref<128xi32, #tpu.memory_space<hbm>>) target(%dma_start3A_22 : memref<128xi32, #tpu.memory_space<vmem>>) target_semaphore(%arg12 : memref<!tpu.dma_semaphore, #tpu.memory_space<semaphore_mem>>)
    %dma_start3A_24 = arith.constant 128 : i32
    %dma_start3A_25 = tpu.memref_slice %arg8[%dma_start3A_24] : memref<512xi32, #tpu.memory_space<vmem>> -> memref<128xi32, #tpu.memory_space<vmem>>
    %dma_start3A_26 = tpu.memref_slice %arg3[%add3A_17] : memref<16384xi32, #tpu.memory_space<hbm>> -> memref<128xi32, #tpu.memory_space<hbm>>
    %dma_start3A_27 = arith.constant 128 : i32
    %dma_start3A_28 = tpu.memref_slice %arg8[%dma_start3A_27] : memref<512xi32, #tpu.memory_space<vmem>> -> memref<128xi32, #tpu.memory_space<vmem>>
    %dma_start3A_29 = tpu.memref_slice %arg3[%add3A_17] : memref<16384xi32, #tpu.memory_space<hbm>> -> memref<128xi32, #tpu.memory_space<hbm>>
    tpu.enqueue_dma source(%dma_start3A_29 : memref<128xi32, #tpu.memory_space<hbm>>) target(%dma_start3A_28 : memref<128xi32, #tpu.memory_space<vmem>>) target_semaphore(%arg16 : memref<!tpu.dma_semaphore, #tpu.memory_space<semaphore_mem>>)
    %add3A_30 = arith.constant 256 : i32
    %add3A_31 = arith.addi %mul3A_2, %add3A_30 : i32
    %dma_start3A_32 = arith.constant 256 : i32
    %dma_start3A_33 = tpu.memref_slice %arg7[%dma_start3A_32] : memref<512xi32, #tpu.memory_space<vmem>> -> memref<128xi32, #tpu.memory_space<vmem>>
    %dma_start3A_34 = tpu.memref_slice %arg2[%add3A_31] : memref<16384xi32, #tpu.memory_space<hbm>> -> memref<128xi32, #tpu.memory_space<hbm>>
    %dma_start3A_35 = arith.constant 256 : i32
    %dma_start3A_36 = tpu.memref_slice %arg7[%dma_start3A_35] : memref<512xi32, #tpu.memory_space<vmem>> -> memref<128xi32, #tpu.memory_space<vmem>>
    %dma_start3A_37 = tpu.memref_slice %arg2[%add3A_31] : memref<16384xi32, #tpu.memory_space<hbm>> -> memref<128xi32, #tpu.memory_space<hbm>>
    tpu.enqueue_dma source(%dma_start3A_37 : memref<128xi32, #tpu.memory_space<hbm>>) target(%dma_start3A_36 : memref<128xi32, #tpu.memory_space<vmem>>) target_semaphore(%arg13 : memref<!tpu.dma_semaphore, #tpu.memory_space<semaphore_mem>>)
    %dma_start3A_38 = arith.constant 256 : i32
    %dma_start3A_39 = tpu.memref_slice %arg8[%dma_start3A_38] : memref<512xi32, #tpu.memory_space<vmem>> -> memref<128xi32, #tpu.memory_space<vmem>>
    %dma_start3A_40 = tpu.memref_slice %arg3[%add3A_31] : memref<16384xi32, #tpu.memory_space<hbm>> -> memref<128xi32, #tpu.memory_space<hbm>>
    %dma_start3A_41 = arith.constant 256 : i32
    %dma_start3A_42 = tpu.memref_slice %arg8[%dma_start3A_41] : memref<512xi32, #tpu.memory_space<vmem>> -> memref<128xi32, #tpu.memory_space<vmem>>
    %dma_start3A_43 = tpu.memref_slice %arg3[%add3A_31] : memref<16384xi32, #tpu.memory_space<hbm>> -> memref<128xi32, #tpu.memory_space<hbm>>
    tpu.enqueue_dma source(%dma_start3A_43 : memref<128xi32, #tpu.memory_space<hbm>>) target(%dma_start3A_42 : memref<128xi32, #tpu.memory_space<vmem>>) target_semaphore(%arg17 : memref<!tpu.dma_semaphore, #tpu.memory_space<semaphore_mem>>)
    %add3A_44 = arith.constant 384 : i32
    %add3A_45 = arith.addi %mul3A_2, %add3A_44 : i32
    %dma_start3A_46 = arith.constant 384 : i32
    %dma_start3A_47 = tpu.memref_slice %arg7[%dma_start3A_46] : memref<512xi32, #tpu.memory_space<vmem>> -> memref<128xi32, #tpu.memory_space<vmem>>
    %dma_start3A_48 = tpu.memref_slice %arg2[%add3A_45] : memref<16384xi32, #tpu.memory_space<hbm>> -> memref<128xi32, #tpu.memory_space<hbm>>
    %dma_start3A_49 = arith.constant 384 : i32
    %dma_start3A_50 = tpu.memref_slice %arg7[%dma_start3A_49] : memref<512xi32, #tpu.memory_space<vmem>> -> memref<128xi32, #tpu.memory_space<vmem>>
    %dma_start3A_51 = tpu.memref_slice %arg2[%add3A_45] : memref<16384xi32, #tpu.memory_space<hbm>> -> memref<128xi32, #tpu.memory_space<hbm>>
    tpu.enqueue_dma source(%dma_start3A_51 : memref<128xi32, #tpu.memory_space<hbm>>) target(%dma_start3A_50 : memref<128xi32, #tpu.memory_space<vmem>>) target_semaphore(%arg14 : memref<!tpu.dma_semaphore, #tpu.memory_space<semaphore_mem>>)
    %dma_start3A_52 = arith.constant 384 : i32
    %dma_start3A_53 = tpu.memref_slice %arg8[%dma_start3A_52] : memref<512xi32, #tpu.memory_space<vmem>> -> memref<128xi32, #tpu.memory_space<vmem>>
    %dma_start3A_54 = tpu.memref_slice %arg3[%add3A_45] : memref<16384xi32, #tpu.memory_space<hbm>> -> memref<128xi32, #tpu.memory_space<hbm>>
    %dma_start3A_55 = arith.constant 384 : i32
    %dma_start3A_56 = tpu.memref_slice %arg8[%dma_start3A_55] : memref<512xi32, #tpu.memory_space<vmem>> -> memref<128xi32, #tpu.memory_space<vmem>>
    %dma_start3A_57 = tpu.memref_slice %arg3[%add3A_45] : memref<16384xi32, #tpu.memory_space<hbm>> -> memref<128xi32, #tpu.memory_space<hbm>>
    tpu.enqueue_dma source(%dma_start3A_57 : memref<128xi32, #tpu.memory_space<hbm>>) target(%dma_start3A_56 : memref<128xi32, #tpu.memory_space<vmem>>) target_semaphore(%arg18 : memref<!tpu.dma_semaphore, #tpu.memory_space<semaphore_mem>>)
    %dma_wait3A = arith.constant 0 : i32
    %dma_wait3A_58 = tpu.memref_slice %arg7[%dma_wait3A] : memref<512xi32, #tpu.memory_space<vmem>> -> memref<128xi32, #tpu.memory_space<vmem>>
    %dma_wait3A_59 = tpu.memref_slice %arg2[%add3A_4] : memref<16384xi32, #tpu.memory_space<hbm>> -> memref<128xi32, #tpu.memory_space<hbm>>
    %dma_wait3A_60 = arith.constant 0 : i32
    %dma_wait3A_61 = tpu.memref_slice %arg7[%dma_wait3A_60] : memref<512xi32, #tpu.memory_space<vmem>> -> memref<128xi32, #tpu.memory_space<vmem>>
    %dma_wait3A_62 = tpu.memref_slice %arg2[%add3A_4] : memref<16384xi32, #tpu.memory_space<hbm>> -> memref<128xi32, #tpu.memory_space<hbm>>
    tpu.wait_dma2 semaphore(%arg11 : memref<!tpu.dma_semaphore, #tpu.memory_space<semaphore_mem>>) src(%dma_wait3A_62 : memref<128xi32, #tpu.memory_space<hbm>>) dst(%dma_wait3A_61 : memref<128xi32, #tpu.memory_space<vmem>>)
    %dma_start3A_63 = arith.constant 0 : i32
    %dma_start3A_64 = tpu.memref_slice %arg9[%dma_start3A_63] : memref<512xf32, #tpu.memory_space<vmem>> -> memref<128xf32, #tpu.memory_space<vmem>>
    %dma_start3A_65 = arith.constant 0 : i32
    %dma_start3A_66 = tpu.memref_slice %arg7[%dma_start3A_65] : memref<512xi32, #tpu.memory_space<vmem>> -> memref<128xi32, #tpu.memory_space<vmem>>
    %dma_start3A_67 = arith.constant 0 : i32
    %dma_start3A_68 = tpu.memref_slice %arg4[%dma_start3A_67] : memref<100000xf32, #tpu.memory_space<hbm>> -> memref<100000xf32, #tpu.memory_space<hbm>>
    tpu.enqueue_indirect_dma source(%dma_start3A_68 : memref<100000xf32, #tpu.memory_space<hbm>>) target(%dma_start3A_64 : memref<128xf32, #tpu.memory_space<vmem>>) offsets(%dma_start3A_66 : memref<128xi32, #tpu.memory_space<vmem>>) semaphore(%arg19 : memref<!tpu.dma_semaphore, #tpu.memory_space<semaphore_mem>>)
    %dma_wait3A_69 = arith.constant 0 : i32
    %dma_wait3A_70 = tpu.memref_slice %arg8[%dma_wait3A_69] : memref<512xi32, #tpu.memory_space<vmem>> -> memref<128xi32, #tpu.memory_space<vmem>>
    %dma_wait3A_71 = tpu.memref_slice %arg3[%add3A_4] : memref<16384xi32, #tpu.memory_space<hbm>> -> memref<128xi32, #tpu.memory_space<hbm>>
    %dma_wait3A_72 = arith.constant 0 : i32
    %dma_wait3A_73 = tpu.memref_slice %arg8[%dma_wait3A_72] : memref<512xi32, #tpu.memory_space<vmem>> -> memref<128xi32, #tpu.memory_space<vmem>>
    %dma_wait3A_74 = tpu.memref_slice %arg3[%add3A_4] : memref<16384xi32, #tpu.memory_space<hbm>> -> memref<128xi32, #tpu.memory_space<hbm>>
    tpu.wait_dma2 semaphore(%arg15 : memref<!tpu.dma_semaphore, #tpu.memory_space<semaphore_mem>>) src(%dma_wait3A_74 : memref<128xi32, #tpu.memory_space<hbm>>) dst(%dma_wait3A_73 : memref<128xi32, #tpu.memory_space<vmem>>)
    %dma_start3A_75 = arith.constant 0 : i32
    %dma_start3A_76 = tpu.memref_slice %arg10[%dma_start3A_75] : memref<512xf32, #tpu.memory_space<vmem>> -> memref<128xf32, #tpu.memory_space<vmem>>
    %dma_start3A_77 = arith.constant 0 : i32
    %dma_start3A_78 = tpu.memref_slice %arg8[%dma_start3A_77] : memref<512xi32, #tpu.memory_space<vmem>> -> memref<128xi32, #tpu.memory_space<vmem>>
    %dma_start3A_79 = arith.constant 0 : i32
    %dma_start3A_80 = tpu.memref_slice %arg5[%dma_start3A_79] : memref<1000000xf32, #tpu.memory_space<hbm>> -> memref<1000000xf32, #tpu.memory_space<hbm>>
    tpu.enqueue_indirect_dma source(%dma_start3A_80 : memref<1000000xf32, #tpu.memory_space<hbm>>) target(%dma_start3A_76 : memref<128xf32, #tpu.memory_space<vmem>>) offsets(%dma_start3A_78 : memref<128xi32, #tpu.memory_space<vmem>>) semaphore(%arg23 : memref<!tpu.dma_semaphore, #tpu.memory_space<semaphore_mem>>)
    %dma_wait3A_81 = arith.constant 128 : i32
    %dma_wait3A_82 = tpu.memref_slice %arg7[%dma_wait3A_81] : memref<512xi32, #tpu.memory_space<vmem>> -> memref<128xi32, #tpu.memory_space<vmem>>
    %dma_wait3A_83 = tpu.memref_slice %arg2[%add3A_17] : memref<16384xi32, #tpu.memory_space<hbm>> -> memref<128xi32, #tpu.memory_space<hbm>>
    %dma_wait3A_84 = arith.constant 128 : i32
    %dma_wait3A_85 = tpu.memref_slice %arg7[%dma_wait3A_84] : memref<512xi32, #tpu.memory_space<vmem>> -> memref<128xi32, #tpu.memory_space<vmem>>
    %dma_wait3A_86 = tpu.memref_slice %arg2[%add3A_17] : memref<16384xi32, #tpu.memory_space<hbm>> -> memref<128xi32, #tpu.memory_space<hbm>>
    tpu.wait_dma2 semaphore(%arg12 : memref<!tpu.dma_semaphore, #tpu.memory_space<semaphore_mem>>) src(%dma_wait3A_86 : memref<128xi32, #tpu.memory_space<hbm>>) dst(%dma_wait3A_85 : memref<128xi32, #tpu.memory_space<vmem>>)
    %dma_start3A_87 = arith.constant 128 : i32
    %dma_start3A_88 = tpu.memref_slice %arg9[%dma_start3A_87] : memref<512xf32, #tpu.memory_space<vmem>> -> memref<128xf32, #tpu.memory_space<vmem>>
    %dma_start3A_89 = arith.constant 128 : i32
    %dma_start3A_90 = tpu.memref_slice %arg7[%dma_start3A_89] : memref<512xi32, #tpu.memory_space<vmem>> -> memref<128xi32, #tpu.memory_space<vmem>>
    %dma_start3A_91 = arith.constant 0 : i32
    %dma_start3A_92 = tpu.memref_slice %arg4[%dma_start3A_91] : memref<100000xf32, #tpu.memory_space<hbm>> -> memref<100000xf32, #tpu.memory_space<hbm>>
    tpu.enqueue_indirect_dma source(%dma_start3A_92 : memref<100000xf32, #tpu.memory_space<hbm>>) target(%dma_start3A_88 : memref<128xf32, #tpu.memory_space<vmem>>) offsets(%dma_start3A_90 : memref<128xi32, #tpu.memory_space<vmem>>) semaphore(%arg20 : memref<!tpu.dma_semaphore, #tpu.memory_space<semaphore_mem>>)
    %dma_wait3A_93 = arith.constant 128 : i32
    %dma_wait3A_94 = tpu.memref_slice %arg8[%dma_wait3A_93] : memref<512xi32, #tpu.memory_space<vmem>> -> memref<128xi32, #tpu.memory_space<vmem>>
    %dma_wait3A_95 = tpu.memref_slice %arg3[%add3A_17] : memref<16384xi32, #tpu.memory_space<hbm>> -> memref<128xi32, #tpu.memory_space<hbm>>
    %dma_wait3A_96 = arith.constant 128 : i32
    %dma_wait3A_97 = tpu.memref_slice %arg8[%dma_wait3A_96] : memref<512xi32, #tpu.memory_space<vmem>> -> memref<128xi32, #tpu.memory_space<vmem>>
    %dma_wait3A_98 = tpu.memref_slice %arg3[%add3A_17] : memref<16384xi32, #tpu.memory_space<hbm>> -> memref<128xi32, #tpu.memory_space<hbm>>
    tpu.wait_dma2 semaphore(%arg16 : memref<!tpu.dma_semaphore, #tpu.memory_space<semaphore_mem>>) src(%dma_wait3A_98 : memref<128xi32, #tpu.memory_space<hbm>>) dst(%dma_wait3A_97 : memref<128xi32, #tpu.memory_space<vmem>>)
    %dma_start3A_99 = arith.constant 128 : i32
    %dma_start3A_100 = tpu.memref_slice %arg10[%dma_start3A_99] : memref<512xf32, #tpu.memory_space<vmem>> -> memref<128xf32, #tpu.memory_space<vmem>>
    %dma_start3A_101 = arith.constant 128 : i32
    %dma_start3A_102 = tpu.memref_slice %arg8[%dma_start3A_101] : memref<512xi32, #tpu.memory_space<vmem>> -> memref<128xi32, #tpu.memory_space<vmem>>
    %dma_start3A_103 = arith.constant 0 : i32
    %dma_start3A_104 = tpu.memref_slice %arg5[%dma_start3A_103] : memref<1000000xf32, #tpu.memory_space<hbm>> -> memref<1000000xf32, #tpu.memory_space<hbm>>
    tpu.enqueue_indirect_dma source(%dma_start3A_104 : memref<1000000xf32, #tpu.memory_space<hbm>>) target(%dma_start3A_100 : memref<128xf32, #tpu.memory_space<vmem>>) offsets(%dma_start3A_102 : memref<128xi32, #tpu.memory_space<vmem>>) semaphore(%arg24 : memref<!tpu.dma_semaphore, #tpu.memory_space<semaphore_mem>>)
    %dma_wait3A_105 = arith.constant 256 : i32
    %dma_wait3A_106 = tpu.memref_slice %arg7[%dma_wait3A_105] : memref<512xi32, #tpu.memory_space<vmem>> -> memref<128xi32, #tpu.memory_space<vmem>>
    %dma_wait3A_107 = tpu.memref_slice %arg2[%add3A_31] : memref<16384xi32, #tpu.memory_space<hbm>> -> memref<128xi32, #tpu.memory_space<hbm>>
    %dma_wait3A_108 = arith.constant 256 : i32
    %dma_wait3A_109 = tpu.memref_slice %arg7[%dma_wait3A_108] : memref<512xi32, #tpu.memory_space<vmem>> -> memref<128xi32, #tpu.memory_space<vmem>>
    %dma_wait3A_110 = tpu.memref_slice %arg2[%add3A_31] : memref<16384xi32, #tpu.memory_space<hbm>> -> memref<128xi32, #tpu.memory_space<hbm>>
    tpu.wait_dma2 semaphore(%arg13 : memref<!tpu.dma_semaphore, #tpu.memory_space<semaphore_mem>>) src(%dma_wait3A_110 : memref<128xi32, #tpu.memory_space<hbm>>) dst(%dma_wait3A_109 : memref<128xi32, #tpu.memory_space<vmem>>)
    %dma_start3A_111 = arith.constant 256 : i32
    %dma_start3A_112 = tpu.memref_slice %arg9[%dma_start3A_111] : memref<512xf32, #tpu.memory_space<vmem>> -> memref<128xf32, #tpu.memory_space<vmem>>
    %dma_start3A_113 = arith.constant 256 : i32
    %dma_start3A_114 = tpu.memref_slice %arg7[%dma_start3A_113] : memref<512xi32, #tpu.memory_space<vmem>> -> memref<128xi32, #tpu.memory_space<vmem>>
    %dma_start3A_115 = arith.constant 0 : i32
    %dma_start3A_116 = tpu.memref_slice %arg4[%dma_start3A_115] : memref<100000xf32, #tpu.memory_space<hbm>> -> memref<100000xf32, #tpu.memory_space<hbm>>
    tpu.enqueue_indirect_dma source(%dma_start3A_116 : memref<100000xf32, #tpu.memory_space<hbm>>) target(%dma_start3A_112 : memref<128xf32, #tpu.memory_space<vmem>>) offsets(%dma_start3A_114 : memref<128xi32, #tpu.memory_space<vmem>>) semaphore(%arg21 : memref<!tpu.dma_semaphore, #tpu.memory_space<semaphore_mem>>)
    %dma_wait3A_117 = arith.constant 256 : i32
    %dma_wait3A_118 = tpu.memref_slice %arg8[%dma_wait3A_117] : memref<512xi32, #tpu.memory_space<vmem>> -> memref<128xi32, #tpu.memory_space<vmem>>
    %dma_wait3A_119 = tpu.memref_slice %arg3[%add3A_31] : memref<16384xi32, #tpu.memory_space<hbm>> -> memref<128xi32, #tpu.memory_space<hbm>>
    %dma_wait3A_120 = arith.constant 256 : i32
    %dma_wait3A_121 = tpu.memref_slice %arg8[%dma_wait3A_120] : memref<512xi32, #tpu.memory_space<vmem>> -> memref<128xi32, #tpu.memory_space<vmem>>
    %dma_wait3A_122 = tpu.memref_slice %arg3[%add3A_31] : memref<16384xi32, #tpu.memory_space<hbm>> -> memref<128xi32, #tpu.memory_space<hbm>>
    tpu.wait_dma2 semaphore(%arg17 : memref<!tpu.dma_semaphore, #tpu.memory_space<semaphore_mem>>) src(%dma_wait3A_122 : memref<128xi32, #tpu.memory_space<hbm>>) dst(%dma_wait3A_121 : memref<128xi32, #tpu.memory_space<vmem>>)
    %dma_start3A_123 = arith.constant 256 : i32
    %dma_start3A_124 = tpu.memref_slice %arg10[%dma_start3A_123] : memref<512xf32, #tpu.memory_space<vmem>> -> memref<128xf32, #tpu.memory_space<vmem>>
    %dma_start3A_125 = arith.constant 256 : i32
    %dma_start3A_126 = tpu.memref_slice %arg8[%dma_start3A_125] : memref<512xi32, #tpu.memory_space<vmem>> -> memref<128xi32, #tpu.memory_space<vmem>>
    %dma_start3A_127 = arith.constant 0 : i32
    %dma_start3A_128 = tpu.memref_slice %arg5[%dma_start3A_127] : memref<1000000xf32, #tpu.memory_space<hbm>> -> memref<1000000xf32, #tpu.memory_space<hbm>>
    tpu.enqueue_indirect_dma source(%dma_start3A_128 : memref<1000000xf32, #tpu.memory_space<hbm>>) target(%dma_start3A_124 : memref<128xf32, #tpu.memory_space<vmem>>) offsets(%dma_start3A_126 : memref<128xi32, #tpu.memory_space<vmem>>) semaphore(%arg25 : memref<!tpu.dma_semaphore, #tpu.memory_space<semaphore_mem>>)
    %dma_wait3A_129 = arith.constant 384 : i32
    %dma_wait3A_130 = tpu.memref_slice %arg7[%dma_wait3A_129] : memref<512xi32, #tpu.memory_space<vmem>> -> memref<128xi32, #tpu.memory_space<vmem>>
    %dma_wait3A_131 = tpu.memref_slice %arg2[%add3A_45] : memref<16384xi32, #tpu.memory_space<hbm>> -> memref<128xi32, #tpu.memory_space<hbm>>
    %dma_wait3A_132 = arith.constant 384 : i32
    %dma_wait3A_133 = tpu.memref_slice %arg7[%dma_wait3A_132] : memref<512xi32, #tpu.memory_space<vmem>> -> memref<128xi32, #tpu.memory_space<vmem>>
    %dma_wait3A_134 = tpu.memref_slice %arg2[%add3A_45] : memref<16384xi32, #tpu.memory_space<hbm>> -> memref<128xi32, #tpu.memory_space<hbm>>
    tpu.wait_dma2 semaphore(%arg14 : memref<!tpu.dma_semaphore, #tpu.memory_space<semaphore_mem>>) src(%dma_wait3A_134 : memref<128xi32, #tpu.memory_space<hbm>>) dst(%dma_wait3A_133 : memref<128xi32, #tpu.memory_space<vmem>>)
    %dma_start3A_135 = arith.constant 384 : i32
    %dma_start3A_136 = tpu.memref_slice %arg9[%dma_start3A_135] : memref<512xf32, #tpu.memory_space<vmem>> -> memref<128xf32, #tpu.memory_space<vmem>>
    %dma_start3A_137 = arith.constant 384 : i32
    %dma_start3A_138 = tpu.memref_slice %arg7[%dma_start3A_137] : memref<512xi32, #tpu.memory_space<vmem>> -> memref<128xi32, #tpu.memory_space<vmem>>
    %dma_start3A_139 = arith.constant 0 : i32
    %dma_start3A_140 = tpu.memref_slice %arg4[%dma_start3A_139] : memref<100000xf32, #tpu.memory_space<hbm>> -> memref<100000xf32, #tpu.memory_space<hbm>>
    tpu.enqueue_indirect_dma source(%dma_start3A_140 : memref<100000xf32, #tpu.memory_space<hbm>>) target(%dma_start3A_136 : memref<128xf32, #tpu.memory_space<vmem>>) offsets(%dma_start3A_138 : memref<128xi32, #tpu.memory_space<vmem>>) semaphore(%arg22 : memref<!tpu.dma_semaphore, #tpu.memory_space<semaphore_mem>>)
    %dma_wait3A_141 = arith.constant 384 : i32
    %dma_wait3A_142 = tpu.memref_slice %arg8[%dma_wait3A_141] : memref<512xi32, #tpu.memory_space<vmem>> -> memref<128xi32, #tpu.memory_space<vmem>>
    %dma_wait3A_143 = tpu.memref_slice %arg3[%add3A_45] : memref<16384xi32, #tpu.memory_space<hbm>> -> memref<128xi32, #tpu.memory_space<hbm>>
    %dma_wait3A_144 = arith.constant 384 : i32
    %dma_wait3A_145 = tpu.memref_slice %arg8[%dma_wait3A_144] : memref<512xi32, #tpu.memory_space<vmem>> -> memref<128xi32, #tpu.memory_space<vmem>>
    %dma_wait3A_146 = tpu.memref_slice %arg3[%add3A_45] : memref<16384xi32, #tpu.memory_space<hbm>> -> memref<128xi32, #tpu.memory_space<hbm>>
    tpu.wait_dma2 semaphore(%arg18 : memref<!tpu.dma_semaphore, #tpu.memory_space<semaphore_mem>>) src(%dma_wait3A_146 : memref<128xi32, #tpu.memory_space<hbm>>) dst(%dma_wait3A_145 : memref<128xi32, #tpu.memory_space<vmem>>)
    %dma_start3A_147 = arith.constant 384 : i32
    %dma_start3A_148 = tpu.memref_slice %arg10[%dma_start3A_147] : memref<512xf32, #tpu.memory_space<vmem>> -> memref<128xf32, #tpu.memory_space<vmem>>
    %dma_start3A_149 = arith.constant 384 : i32
    %dma_start3A_150 = tpu.memref_slice %arg8[%dma_start3A_149] : memref<512xi32, #tpu.memory_space<vmem>> -> memref<128xi32, #tpu.memory_space<vmem>>
    %dma_start3A_151 = arith.constant 0 : i32
    %dma_start3A_152 = tpu.memref_slice %arg5[%dma_start3A_151] : memref<1000000xf32, #tpu.memory_space<hbm>> -> memref<1000000xf32, #tpu.memory_space<hbm>>
    tpu.enqueue_indirect_dma source(%dma_start3A_152 : memref<1000000xf32, #tpu.memory_space<hbm>>) target(%dma_start3A_148 : memref<128xf32, #tpu.memory_space<vmem>>) offsets(%dma_start3A_150 : memref<128xi32, #tpu.memory_space<vmem>>) semaphore(%arg26 : memref<!tpu.dma_semaphore, #tpu.memory_space<semaphore_mem>>)
    %dma_wait3A_153 = arith.constant 0 : i32
    %dma_wait3A_154 = tpu.memref_slice %arg9[%dma_wait3A_153] : memref<512xf32, #tpu.memory_space<vmem>> -> memref<128xf32, #tpu.memory_space<vmem>>
    %dma_wait3A_155 = arith.constant 0 : i32
    %dma_wait3A_156 = tpu.memref_slice %arg7[%dma_wait3A_155] : memref<512xi32, #tpu.memory_space<vmem>> -> memref<128xi32, #tpu.memory_space<vmem>>
    %dma_wait3A_157 = arith.constant 0 : i32
    %dma_wait3A_158 = tpu.memref_slice %arg4[%dma_wait3A_157] : memref<100000xf32, #tpu.memory_space<hbm>> -> memref<100000xf32, #tpu.memory_space<hbm>>
    tpu.wait_indirect_dma semaphore(%arg19 : memref<!tpu.dma_semaphore, #tpu.memory_space<semaphore_mem>>) src(%dma_wait3A_158 : memref<100000xf32, #tpu.memory_space<hbm>>) dst(%dma_wait3A_154 : memref<128xf32, #tpu.memory_space<vmem>>)
    %dma_wait3A_159 = arith.constant 0 : i32
    %dma_wait3A_160 = tpu.memref_slice %arg10[%dma_wait3A_159] : memref<512xf32, #tpu.memory_space<vmem>> -> memref<128xf32, #tpu.memory_space<vmem>>
    %dma_wait3A_161 = arith.constant 0 : i32
    %dma_wait3A_162 = tpu.memref_slice %arg8[%dma_wait3A_161] : memref<512xi32, #tpu.memory_space<vmem>> -> memref<128xi32, #tpu.memory_space<vmem>>
    %dma_wait3A_163 = arith.constant 0 : i32
    %dma_wait3A_164 = tpu.memref_slice %arg5[%dma_wait3A_163] : memref<1000000xf32, #tpu.memory_space<hbm>> -> memref<1000000xf32, #tpu.memory_space<hbm>>
    tpu.wait_indirect_dma semaphore(%arg23 : memref<!tpu.dma_semaphore, #tpu.memory_space<semaphore_mem>>) src(%dma_wait3A_164 : memref<1000000xf32, #tpu.memory_space<hbm>>) dst(%dma_wait3A_160 : memref<128xf32, #tpu.memory_space<vmem>>)
    %get3A = arith.constant 0 : index
    %get3A_165 = tpu.vector_load %arg9[%get3A] {strides = array<i32>} : memref<512xf32, #tpu.memory_space<vmem>>, vector<16xf32>,
    %get3A_166 = vector.shape_cast %get3A_165 : vector<16xf32> to vector<16xf32>
    %get3A_167 = arith.constant 0 : index
    %get3A_168 = tpu.vector_load %arg10[%get3A_167] {strides = array<i32>} : memref<512xf32, #tpu.memory_space<vmem>>, vector<16xf32>,
    %get3A_169 = vector.shape_cast %get3A_168 : vector<16xf32> to vector<16xf32>
    %sub3A = arith.subf %get3A_166, %get3A_169 : vector<16xf32>
    %swap3A = arith.constant 0 : index
    %swap3A_170 = tpu.vector_load %arg9[%swap3A] {strides = array<i32>} : memref<512xf32, #tpu.memory_space<vmem>>, vector<16xf32>,
    %swap3A_171 = vector.shape_cast %swap3A_170 : vector<16xf32> to vector<16xf32>
    %swap3A_172 = vector.shape_cast %sub3A : vector<16xf32> to vector<16xf32>
    tpu.vector_store %arg9[%swap3A], %swap3A_172 {strides = array<i32>} : memref<512xf32, #tpu.memory_space<vmem>>, vector<16xf32>,
    %get3A_173 = arith.constant 16 : index
    %get3A_174 = tpu.vector_load %arg9[%get3A_173] {strides = array<i32>} : memref<512xf32, #tpu.memory_space<vmem>>, vector<16xf32>,
    %get3A_175 = vector.shape_cast %get3A_174 : vector<16xf32> to vector<16xf32>
    %get3A_176 = arith.constant 16 : index
    %get3A_177 = tpu.vector_load %arg10[%get3A_176] {strides = array<i32>} : memref<512xf32, #tpu.memory_space<vmem>>, vector<16xf32>,
    %get3A_178 = vector.shape_cast %get3A_177 : vector<16xf32> to vector<16xf32>
    %sub3A_179 = arith.subf %get3A_175, %get3A_178 : vector<16xf32>
    %swap3A_180 = arith.constant 16 : index
    %swap3A_181 = tpu.vector_load %arg9[%swap3A_180] {strides = array<i32>} : memref<512xf32, #tpu.memory_space<vmem>>, vector<16xf32>,
    %swap3A_182 = vector.shape_cast %swap3A_181 : vector<16xf32> to vector<16xf32>
    %swap3A_183 = vector.shape_cast %sub3A_179 : vector<16xf32> to vector<16xf32>
    tpu.vector_store %arg9[%swap3A_180], %swap3A_183 {strides = array<i32>} : memref<512xf32, #tpu.memory_space<vmem>>, vector<16xf32>,
    %get3A_184 = arith.constant 32 : index
    %get3A_185 = tpu.vector_load %arg9[%get3A_184] {strides = array<i32>} : memref<512xf32, #tpu.memory_space<vmem>>, vector<16xf32>,
    %get3A_186 = vector.shape_cast %get3A_185 : vector<16xf32> to vector<16xf32>
    %get3A_187 = arith.constant 32 : index
    %get3A_188 = tpu.vector_load %arg10[%get3A_187] {strides = array<i32>} : memref<512xf32, #tpu.memory_space<vmem>>, vector<16xf32>,
    %get3A_189 = vector.shape_cast %get3A_188 : vector<16xf32> to vector<16xf32>
    %sub3A_190 = arith.subf %get3A_186, %get3A_189 : vector<16xf32>
    %swap3A_191 = arith.constant 32 : index
    %swap3A_192 = tpu.vector_load %arg9[%swap3A_191] {strides = array<i32>} : memref<512xf32, #tpu.memory_space<vmem>>, vector<16xf32>,
    %swap3A_193 = vector.shape_cast %swap3A_192 : vector<16xf32> to vector<16xf32>
    %swap3A_194 = vector.shape_cast %sub3A_190 : vector<16xf32> to vector<16xf32>
    tpu.vector_store %arg9[%swap3A_191], %swap3A_194 {strides = array<i32>} : memref<512xf32, #tpu.memory_space<vmem>>, vector<16xf32>,
    %get3A_195 = arith.constant 48 : index
    %get3A_196 = tpu.vector_load %arg9[%get3A_195] {strides = array<i32>} : memref<512xf32, #tpu.memory_space<vmem>>, vector<16xf32>,
    %get3A_197 = vector.shape_cast %get3A_196 : vector<16xf32> to vector<16xf32>
    %get3A_198 = arith.constant 48 : index
    %get3A_199 = tpu.vector_load %arg10[%get3A_198] {strides = array<i32>} : memref<512xf32, #tpu.memory_space<vmem>>, vector<16xf32>,
    %get3A_200 = vector.shape_cast %get3A_199 : vector<16xf32> to vector<16xf32>
    %sub3A_201 = arith.subf %get3A_197, %get3A_200 : vector<16xf32>
    %swap3A_202 = arith.constant 48 : index
    %swap3A_203 = tpu.vector_load %arg9[%swap3A_202] {strides = array<i32>} : memref<512xf32, #tpu.memory_space<vmem>>, vector<16xf32>,
    %swap3A_204 = vector.shape_cast %swap3A_203 : vector<16xf32> to vector<16xf32>
    %swap3A_205 = vector.shape_cast %sub3A_201 : vector<16xf32> to vector<16xf32>
    tpu.vector_store %arg9[%swap3A_202], %swap3A_205 {strides = array<i32>} : memref<512xf32, #tpu.memory_space<vmem>>, vector<16xf32>,
    %get3A_206 = arith.constant 64 : index
    %get3A_207 = tpu.vector_load %arg9[%get3A_206] {strides = array<i32>} : memref<512xf32, #tpu.memory_space<vmem>>, vector<16xf32>,
    %get3A_208 = vector.shape_cast %get3A_207 : vector<16xf32> to vector<16xf32>
    %get3A_209 = arith.constant 64 : index
    %get3A_210 = tpu.vector_load %arg10[%get3A_209] {strides = array<i32>} : memref<512xf32, #tpu.memory_space<vmem>>, vector<16xf32>,
    %get3A_211 = vector.shape_cast %get3A_210 : vector<16xf32> to vector<16xf32>
    %sub3A_212 = arith.subf %get3A_208, %get3A_211 : vector<16xf32>
    %swap3A_213 = arith.constant 64 : index
    %swap3A_214 = tpu.vector_load %arg9[%swap3A_213] {strides = array<i32>} : memref<512xf32, #tpu.memory_space<vmem>>, vector<16xf32>,
    %swap3A_215 = vector.shape_cast %swap3A_214 : vector<16xf32> to vector<16xf32>
    %swap3A_216 = vector.shape_cast %sub3A_212 : vector<16xf32> to vector<16xf32>
    tpu.vector_store %arg9[%swap3A_213], %swap3A_216 {strides = array<i32>} : memref<512xf32, #tpu.memory_space<vmem>>, vector<16xf32>,
    %get3A_217 = arith.constant 80 : index
    %get3A_218 = tpu.vector_load %arg9[%get3A_217] {strides = array<i32>} : memref<512xf32, #tpu.memory_space<vmem>>, vector<16xf32>,
    %get3A_219 = vector.shape_cast %get3A_218 : vector<16xf32> to vector<16xf32>
    %get3A_220 = arith.constant 80 : index
    %get3A_221 = tpu.vector_load %arg10[%get3A_220] {strides = array<i32>} : memref<512xf32, #tpu.memory_space<vmem>>, vector<16xf32>,
    %get3A_222 = vector.shape_cast %get3A_221 : vector<16xf32> to vector<16xf32>
    %sub3A_223 = arith.subf %get3A_219, %get3A_222 : vector<16xf32>
    %swap3A_224 = arith.constant 80 : index
    %swap3A_225 = tpu.vector_load %arg9[%swap3A_224] {strides = array<i32>} : memref<512xf32, #tpu.memory_space<vmem>>, vector<16xf32>,
    %swap3A_226 = vector.shape_cast %swap3A_225 : vector<16xf32> to vector<16xf32>
    %swap3A_227 = vector.shape_cast %sub3A_223 : vector<16xf32> to vector<16xf32>
    tpu.vector_store %arg9[%swap3A_224], %swap3A_227 {strides = array<i32>} : memref<512xf32, #tpu.memory_space<vmem>>, vector<16xf32>,
    %get3A_228 = arith.constant 96 : index
    %get3A_229 = tpu.vector_load %arg9[%get3A_228] {strides = array<i32>} : memref<512xf32, #tpu.memory_space<vmem>>, vector<16xf32>,
    %get3A_230 = vector.shape_cast %get3A_229 : vector<16xf32> to vector<16xf32>
    %get3A_231 = arith.constant 96 : index
    %get3A_232 = tpu.vector_load %arg10[%get3A_231] {strides = array<i32>} : memref<512xf32, #tpu.memory_space<vmem>>, vector<16xf32>,
    %get3A_233 = vector.shape_cast %get3A_232 : vector<16xf32> to vector<16xf32>
    %sub3A_234 = arith.subf %get3A_230, %get3A_233 : vector<16xf32>
    %swap3A_235 = arith.constant 96 : index
    %swap3A_236 = tpu.vector_load %arg9[%swap3A_235] {strides = array<i32>} : memref<512xf32, #tpu.memory_space<vmem>>, vector<16xf32>,
    %swap3A_237 = vector.shape_cast %swap3A_236 : vector<16xf32> to vector<16xf32>
    %swap3A_238 = vector.shape_cast %sub3A_234 : vector<16xf32> to vector<16xf32>
    tpu.vector_store %arg9[%swap3A_235], %swap3A_238 {strides = array<i32>} : memref<512xf32, #tpu.memory_space<vmem>>, vector<16xf32>,
    %get3A_239 = arith.constant 112 : index
    %get3A_240 = tpu.vector_load %arg9[%get3A_239] {strides = array<i32>} : memref<512xf32, #tpu.memory_space<vmem>>, vector<16xf32>,
    %get3A_241 = vector.shape_cast %get3A_240 : vector<16xf32> to vector<16xf32>
    %get3A_242 = arith.constant 112 : index
    %get3A_243 = tpu.vector_load %arg10[%get3A_242] {strides = array<i32>} : memref<512xf32, #tpu.memory_space<vmem>>, vector<16xf32>,
    %get3A_244 = vector.shape_cast %get3A_243 : vector<16xf32> to vector<16xf32>
    %sub3A_245 = arith.subf %get3A_241, %get3A_244 : vector<16xf32>
    %swap3A_246 = arith.constant 112 : index
    %swap3A_247 = tpu.vector_load %arg9[%swap3A_246] {strides = array<i32>} : memref<512xf32, #tpu.memory_space<vmem>>, vector<16xf32>,
    %swap3A_248 = vector.shape_cast %swap3A_247 : vector<16xf32> to vector<16xf32>
    %swap3A_249 = vector.shape_cast %sub3A_245 : vector<16xf32> to vector<16xf32>
    tpu.vector_store %arg9[%swap3A_246], %swap3A_249 {strides = array<i32>} : memref<512xf32, #tpu.memory_space<vmem>>, vector<16xf32>,
    %add3A_250 = arith.constant 0 : i32
    %add3A_251 = arith.addi %mul3A_2, %add3A_250 : i32
    %dma_start3A_252 = arith.constant 0 : i32
    %dma_start3A_253 = tpu.memref_slice %arg9[%dma_start3A_252] : memref<512xf32, #tpu.memory_space<vmem>> -> memref<128xf32, #tpu.memory_space<vmem>>
    %dma_start3A_254 = tpu.memref_slice %arg6[%add3A_251] : memref<16384xf32, #tpu.memory_space<hbm>> -> memref<128xf32, #tpu.memory_space<hbm>>
    %dma_start3A_255 = tpu.memref_slice %arg6[%add3A_251] : memref<16384xf32, #tpu.memory_space<hbm>> -> memref<128xf32, #tpu.memory_space<hbm>>
    %dma_start3A_256 = arith.constant 0 : i32
    %dma_start3A_257 = tpu.memref_slice %arg9[%dma_start3A_256] : memref<512xf32, #tpu.memory_space<vmem>> -> memref<128xf32, #tpu.memory_space<vmem>>
    tpu.enqueue_dma source(%dma_start3A_257 : memref<128xf32, #tpu.memory_space<vmem>>) target(%dma_start3A_255 : memref<128xf32, #tpu.memory_space<hbm>>) target_semaphore(%arg27 : memref<!tpu.dma_semaphore, #tpu.memory_space<semaphore_mem>>)
    %dma_wait3A_258 = arith.constant 128 : i32
    %dma_wait3A_259 = tpu.memref_slice %arg9[%dma_wait3A_258] : memref<512xf32, #tpu.memory_space<vmem>> -> memref<128xf32, #tpu.memory_space<vmem>>
    %dma_wait3A_260 = arith.constant 128 : i32
    %dma_wait3A_261 = tpu.memref_slice %arg7[%dma_wait3A_260] : memref<512xi32, #tpu.memory_space<vmem>> -> memref<128xi32, #tpu.memory_space<vmem>>
    %dma_wait3A_262 = arith.constant 0 : i32
    %dma_wait3A_263 = tpu.memref_slice %arg4[%dma_wait3A_262] : memref<100000xf32, #tpu.memory_space<hbm>> -> memref<100000xf32, #tpu.memory_space<hbm>>
    tpu.wait_indirect_dma semaphore(%arg20 : memref<!tpu.dma_semaphore, #tpu.memory_space<semaphore_mem>>) src(%dma_wait3A_263 : memref<100000xf32, #tpu.memory_space<hbm>>) dst(%dma_wait3A_259 : memref<128xf32, #tpu.memory_space<vmem>>)
    %dma_wait3A_264 = arith.constant 128 : i32
    %dma_wait3A_265 = tpu.memref_slice %arg10[%dma_wait3A_264] : memref<512xf32, #tpu.memory_space<vmem>> -> memref<128xf32, #tpu.memory_space<vmem>>
    %dma_wait3A_266 = arith.constant 128 : i32
    %dma_wait3A_267 = tpu.memref_slice %arg8[%dma_wait3A_266] : memref<512xi32, #tpu.memory_space<vmem>> -> memref<128xi32, #tpu.memory_space<vmem>>
    %dma_wait3A_268 = arith.constant 0 : i32
    %dma_wait3A_269 = tpu.memref_slice %arg5[%dma_wait3A_268] : memref<1000000xf32, #tpu.memory_space<hbm>> -> memref<1000000xf32, #tpu.memory_space<hbm>>
    tpu.wait_indirect_dma semaphore(%arg24 : memref<!tpu.dma_semaphore, #tpu.memory_space<semaphore_mem>>) src(%dma_wait3A_269 : memref<1000000xf32, #tpu.memory_space<hbm>>) dst(%dma_wait3A_265 : memref<128xf32, #tpu.memory_space<vmem>>)
    %get3A_270 = arith.constant 128 : index
    %get3A_271 = tpu.vector_load %arg9[%get3A_270] {strides = array<i32>} : memref<512xf32, #tpu.memory_space<vmem>>, vector<16xf32>,
    %get3A_272 = vector.shape_cast %get3A_271 : vector<16xf32> to vector<16xf32>
    %get3A_273 = arith.constant 128 : index
    %get3A_274 = tpu.vector_load %arg10[%get3A_273] {strides = array<i32>} : memref<512xf32, #tpu.memory_space<vmem>>, vector<16xf32>,
    %get3A_275 = vector.shape_cast %get3A_274 : vector<16xf32> to vector<16xf32>
    %sub3A_276 = arith.subf %get3A_272, %get3A_275 : vector<16xf32>
    %swap3A_277 = arith.constant 128 : index
    %swap3A_278 = tpu.vector_load %arg9[%swap3A_277] {strides = array<i32>} : memref<512xf32, #tpu.memory_space<vmem>>, vector<16xf32>,
    %swap3A_279 = vector.shape_cast %swap3A_278 : vector<16xf32> to vector<16xf32>
    %swap3A_280 = vector.shape_cast %sub3A_276 : vector<16xf32> to vector<16xf32>
    tpu.vector_store %arg9[%swap3A_277], %swap3A_280 {strides = array<i32>} : memref<512xf32, #tpu.memory_space<vmem>>, vector<16xf32>,
    %get3A_281 = arith.constant 144 : index
    %get3A_282 = tpu.vector_load %arg9[%get3A_281] {strides = array<i32>} : memref<512xf32, #tpu.memory_space<vmem>>, vector<16xf32>,
    %get3A_283 = vector.shape_cast %get3A_282 : vector<16xf32> to vector<16xf32>
    %get3A_284 = arith.constant 144 : index
    %get3A_285 = tpu.vector_load %arg10[%get3A_284] {strides = array<i32>} : memref<512xf32, #tpu.memory_space<vmem>>, vector<16xf32>,
    %get3A_286 = vector.shape_cast %get3A_285 : vector<16xf32> to vector<16xf32>
    %sub3A_287 = arith.subf %get3A_283, %get3A_286 : vector<16xf32>
    %swap3A_288 = arith.constant 144 : index
    %swap3A_289 = tpu.vector_load %arg9[%swap3A_288] {strides = array<i32>} : memref<512xf32, #tpu.memory_space<vmem>>, vector<16xf32>,
    %swap3A_290 = vector.shape_cast %swap3A_289 : vector<16xf32> to vector<16xf32>
    %swap3A_291 = vector.shape_cast %sub3A_287 : vector<16xf32> to vector<16xf32>
    tpu.vector_store %arg9[%swap3A_288], %swap3A_291 {strides = array<i32>} : memref<512xf32, #tpu.memory_space<vmem>>, vector<16xf32>,
    %get3A_292 = arith.constant 160 : index
    %get3A_293 = tpu.vector_load %arg9[%get3A_292] {strides = array<i32>} : memref<512xf32, #tpu.memory_space<vmem>>, vector<16xf32>,
    %get3A_294 = vector.shape_cast %get3A_293 : vector<16xf32> to vector<16xf32>
    %get3A_295 = arith.constant 160 : index
    %get3A_296 = tpu.vector_load %arg10[%get3A_295] {strides = array<i32>} : memref<512xf32, #tpu.memory_space<vmem>>, vector<16xf32>,
    %get3A_297 = vector.shape_cast %get3A_296 : vector<16xf32> to vector<16xf32>
    %sub3A_298 = arith.subf %get3A_294, %get3A_297 : vector<16xf32>
    %swap3A_299 = arith.constant 160 : index
    %swap3A_300 = tpu.vector_load %arg9[%swap3A_299] {strides = array<i32>} : memref<512xf32, #tpu.memory_space<vmem>>, vector<16xf32>,
    %swap3A_301 = vector.shape_cast %swap3A_300 : vector<16xf32> to vector<16xf32>
    %swap3A_302 = vector.shape_cast %sub3A_298 : vector<16xf32> to vector<16xf32>
    tpu.vector_store %arg9[%swap3A_299], %swap3A_302 {strides = array<i32>} : memref<512xf32, #tpu.memory_space<vmem>>, vector<16xf32>,
    %get3A_303 = arith.constant 176 : index
    %get3A_304 = tpu.vector_load %arg9[%get3A_303] {strides = array<i32>} : memref<512xf32, #tpu.memory_space<vmem>>, vector<16xf32>,
    %get3A_305 = vector.shape_cast %get3A_304 : vector<16xf32> to vector<16xf32>
    %get3A_306 = arith.constant 176 : index
    %get3A_307 = tpu.vector_load %arg10[%get3A_306] {strides = array<i32>} : memref<512xf32, #tpu.memory_space<vmem>>, vector<16xf32>,
    %get3A_308 = vector.shape_cast %get3A_307 : vector<16xf32> to vector<16xf32>
    %sub3A_309 = arith.subf %get3A_305, %get3A_308 : vector<16xf32>
    %swap3A_310 = arith.constant 176 : index
    %swap3A_311 = tpu.vector_load %arg9[%swap3A_310] {strides = array<i32>} : memref<512xf32, #tpu.memory_space<vmem>>, vector<16xf32>,
    %swap3A_312 = vector.shape_cast %swap3A_311 : vector<16xf32> to vector<16xf32>
    %swap3A_313 = vector.shape_cast %sub3A_309 : vector<16xf32> to vector<16xf32>
    tpu.vector_store %arg9[%swap3A_310], %swap3A_313 {strides = array<i32>} : memref<512xf32, #tpu.memory_space<vmem>>, vector<16xf32>,
    %get3A_314 = arith.constant 192 : index
    %get3A_315 = tpu.vector_load %arg9[%get3A_314] {strides = array<i32>} : memref<512xf32, #tpu.memory_space<vmem>>, vector<16xf32>,
    %get3A_316 = vector.shape_cast %get3A_315 : vector<16xf32> to vector<16xf32>
    %get3A_317 = arith.constant 192 : index
    %get3A_318 = tpu.vector_load %arg10[%get3A_317] {strides = array<i32>} : memref<512xf32, #tpu.memory_space<vmem>>, vector<16xf32>,
    %get3A_319 = vector.shape_cast %get3A_318 : vector<16xf32> to vector<16xf32>
    %sub3A_320 = arith.subf %get3A_316, %get3A_319 : vector<16xf32>
    %swap3A_321 = arith.constant 192 : index
    %swap3A_322 = tpu.vector_load %arg9[%swap3A_321] {strides = array<i32>} : memref<512xf32, #tpu.memory_space<vmem>>, vector<16xf32>,
    %swap3A_323 = vector.shape_cast %swap3A_322 : vector<16xf32> to vector<16xf32>
    %swap3A_324 = vector.shape_cast %sub3A_320 : vector<16xf32> to vector<16xf32>
    tpu.vector_store %arg9[%swap3A_321], %swap3A_324 {strides = array<i32>} : memref<512xf32, #tpu.memory_space<vmem>>, vector<16xf32>,
    %get3A_325 = arith.constant 208 : index
    %get3A_326 = tpu.vector_load %arg9[%get3A_325] {strides = array<i32>} : memref<512xf32, #tpu.memory_space<vmem>>, vector<16xf32>,
    %get3A_327 = vector.shape_cast %get3A_326 : vector<16xf32> to vector<16xf32>
    %get3A_328 = arith.constant 208 : index
    %get3A_329 = tpu.vector_load %arg10[%get3A_328] {strides = array<i32>} : memref<512xf32, #tpu.memory_space<vmem>>, vector<16xf32>,
    %get3A_330 = vector.shape_cast %get3A_329 : vector<16xf32> to vector<16xf32>
    %sub3A_331 = arith.subf %get3A_327, %get3A_330 : vector<16xf32>
    %swap3A_332 = arith.constant 208 : index
    %swap3A_333 = tpu.vector_load %arg9[%swap3A_332] {strides = array<i32>} : memref<512xf32, #tpu.memory_space<vmem>>, vector<16xf32>,
    %swap3A_334 = vector.shape_cast %swap3A_333 : vector<16xf32> to vector<16xf32>
    %swap3A_335 = vector.shape_cast %sub3A_331 : vector<16xf32> to vector<16xf32>
    tpu.vector_store %arg9[%swap3A_332], %swap3A_335 {strides = array<i32>} : memref<512xf32, #tpu.memory_space<vmem>>, vector<16xf32>,
    %get3A_336 = arith.constant 224 : index
    %get3A_337 = tpu.vector_load %arg9[%get3A_336] {strides = array<i32>} : memref<512xf32, #tpu.memory_space<vmem>>, vector<16xf32>,
    %get3A_338 = vector.shape_cast %get3A_337 : vector<16xf32> to vector<16xf32>
    %get3A_339 = arith.constant 224 : index
    %get3A_340 = tpu.vector_load %arg10[%get3A_339] {strides = array<i32>} : memref<512xf32, #tpu.memory_space<vmem>>, vector<16xf32>,
    %get3A_341 = vector.shape_cast %get3A_340 : vector<16xf32> to vector<16xf32>
    %sub3A_342 = arith.subf %get3A_338, %get3A_341 : vector<16xf32>
    %swap3A_343 = arith.constant 224 : index
    %swap3A_344 = tpu.vector_load %arg9[%swap3A_343] {strides = array<i32>} : memref<512xf32, #tpu.memory_space<vmem>>, vector<16xf32>,
    %swap3A_345 = vector.shape_cast %swap3A_344 : vector<16xf32> to vector<16xf32>
    %swap3A_346 = vector.shape_cast %sub3A_342 : vector<16xf32> to vector<16xf32>
    tpu.vector_store %arg9[%swap3A_343], %swap3A_346 {strides = array<i32>} : memref<512xf32, #tpu.memory_space<vmem>>, vector<16xf32>,
    %get3A_347 = arith.constant 240 : index
    %get3A_348 = tpu.vector_load %arg9[%get3A_347] {strides = array<i32>} : memref<512xf32, #tpu.memory_space<vmem>>, vector<16xf32>,
    %get3A_349 = vector.shape_cast %get3A_348 : vector<16xf32> to vector<16xf32>
    %get3A_350 = arith.constant 240 : index
    %get3A_351 = tpu.vector_load %arg10[%get3A_350] {strides = array<i32>} : memref<512xf32, #tpu.memory_space<vmem>>, vector<16xf32>,
    %get3A_352 = vector.shape_cast %get3A_351 : vector<16xf32> to vector<16xf32>
    %sub3A_353 = arith.subf %get3A_349, %get3A_352 : vector<16xf32>
    %swap3A_354 = arith.constant 240 : index
    %swap3A_355 = tpu.vector_load %arg9[%swap3A_354] {strides = array<i32>} : memref<512xf32, #tpu.memory_space<vmem>>, vector<16xf32>,
    %swap3A_356 = vector.shape_cast %swap3A_355 : vector<16xf32> to vector<16xf32>
    %swap3A_357 = vector.shape_cast %sub3A_353 : vector<16xf32> to vector<16xf32>
    tpu.vector_store %arg9[%swap3A_354], %swap3A_357 {strides = array<i32>} : memref<512xf32, #tpu.memory_space<vmem>>, vector<16xf32>,
    %add3A_358 = arith.constant 128 : i32
    %add3A_359 = arith.addi %mul3A_2, %add3A_358 : i32
    %dma_start3A_360 = arith.constant 128 : i32
    %dma_start3A_361 = tpu.memref_slice %arg9[%dma_start3A_360] : memref<512xf32, #tpu.memory_space<vmem>> -> memref<128xf32, #tpu.memory_space<vmem>>
    %dma_start3A_362 = tpu.memref_slice %arg6[%add3A_359] : memref<16384xf32, #tpu.memory_space<hbm>> -> memref<128xf32, #tpu.memory_space<hbm>>
    %dma_start3A_363 = tpu.memref_slice %arg6[%add3A_359] : memref<16384xf32, #tpu.memory_space<hbm>> -> memref<128xf32, #tpu.memory_space<hbm>>
    %dma_start3A_364 = arith.constant 128 : i32
    %dma_start3A_365 = tpu.memref_slice %arg9[%dma_start3A_364] : memref<512xf32, #tpu.memory_space<vmem>> -> memref<128xf32, #tpu.memory_space<vmem>>
    tpu.enqueue_dma source(%dma_start3A_365 : memref<128xf32, #tpu.memory_space<vmem>>) target(%dma_start3A_363 : memref<128xf32, #tpu.memory_space<hbm>>) target_semaphore(%arg27 : memref<!tpu.dma_semaphore, #tpu.memory_space<semaphore_mem>>)
    %dma_wait3A_366 = arith.constant 256 : i32
    %dma_wait3A_367 = tpu.memref_slice %arg9[%dma_wait3A_366] : memref<512xf32, #tpu.memory_space<vmem>> -> memref<128xf32, #tpu.memory_space<vmem>>
    %dma_wait3A_368 = arith.constant 256 : i32
    %dma_wait3A_369 = tpu.memref_slice %arg7[%dma_wait3A_368] : memref<512xi32, #tpu.memory_space<vmem>> -> memref<128xi32, #tpu.memory_space<vmem>>
    %dma_wait3A_370 = arith.constant 0 : i32
    %dma_wait3A_371 = tpu.memref_slice %arg4[%dma_wait3A_370] : memref<100000xf32, #tpu.memory_space<hbm>> -> memref<100000xf32, #tpu.memory_space<hbm>>
    tpu.wait_indirect_dma semaphore(%arg21 : memref<!tpu.dma_semaphore, #tpu.memory_space<semaphore_mem>>) src(%dma_wait3A_371 : memref<100000xf32, #tpu.memory_space<hbm>>) dst(%dma_wait3A_367 : memref<128xf32, #tpu.memory_space<vmem>>)
    %dma_wait3A_372 = arith.constant 256 : i32
    %dma_wait3A_373 = tpu.memref_slice %arg10[%dma_wait3A_372] : memref<512xf32, #tpu.memory_space<vmem>> -> memref<128xf32, #tpu.memory_space<vmem>>
    %dma_wait3A_374 = arith.constant 256 : i32
    %dma_wait3A_375 = tpu.memref_slice %arg8[%dma_wait3A_374] : memref<512xi32, #tpu.memory_space<vmem>> -> memref<128xi32, #tpu.memory_space<vmem>>
    %dma_wait3A_376 = arith.constant 0 : i32
    %dma_wait3A_377 = tpu.memref_slice %arg5[%dma_wait3A_376] : memref<1000000xf32, #tpu.memory_space<hbm>> -> memref<1000000xf32, #tpu.memory_space<hbm>>
    tpu.wait_indirect_dma semaphore(%arg25 : memref<!tpu.dma_semaphore, #tpu.memory_space<semaphore_mem>>) src(%dma_wait3A_377 : memref<1000000xf32, #tpu.memory_space<hbm>>) dst(%dma_wait3A_373 : memref<128xf32, #tpu.memory_space<vmem>>)
    %get3A_378 = arith.constant 256 : index
    %get3A_379 = tpu.vector_load %arg9[%get3A_378] {strides = array<i32>} : memref<512xf32, #tpu.memory_space<vmem>>, vector<16xf32>,
    %get3A_380 = vector.shape_cast %get3A_379 : vector<16xf32> to vector<16xf32>
    %get3A_381 = arith.constant 256 : index
    %get3A_382 = tpu.vector_load %arg10[%get3A_381] {strides = array<i32>} : memref<512xf32, #tpu.memory_space<vmem>>, vector<16xf32>,
    %get3A_383 = vector.shape_cast %get3A_382 : vector<16xf32> to vector<16xf32>
    %sub3A_384 = arith.subf %get3A_380, %get3A_383 : vector<16xf32>
    %swap3A_385 = arith.constant 256 : index
    %swap3A_386 = tpu.vector_load %arg9[%swap3A_385] {strides = array<i32>} : memref<512xf32, #tpu.memory_space<vmem>>, vector<16xf32>,
    %swap3A_387 = vector.shape_cast %swap3A_386 : vector<16xf32> to vector<16xf32>
    %swap3A_388 = vector.shape_cast %sub3A_384 : vector<16xf32> to vector<16xf32>
    tpu.vector_store %arg9[%swap3A_385], %swap3A_388 {strides = array<i32>} : memref<512xf32, #tpu.memory_space<vmem>>, vector<16xf32>,
    %get3A_389 = arith.constant 272 : index
    %get3A_390 = tpu.vector_load %arg9[%get3A_389] {strides = array<i32>} : memref<512xf32, #tpu.memory_space<vmem>>, vector<16xf32>,
    %get3A_391 = vector.shape_cast %get3A_390 : vector<16xf32> to vector<16xf32>
    %get3A_392 = arith.constant 272 : index
    %get3A_393 = tpu.vector_load %arg10[%get3A_392] {strides = array<i32>} : memref<512xf32, #tpu.memory_space<vmem>>, vector<16xf32>,
    %get3A_394 = vector.shape_cast %get3A_393 : vector<16xf32> to vector<16xf32>
    %sub3A_395 = arith.subf %get3A_391, %get3A_394 : vector<16xf32>
    %swap3A_396 = arith.constant 272 : index
    %swap3A_397 = tpu.vector_load %arg9[%swap3A_396] {strides = array<i32>} : memref<512xf32, #tpu.memory_space<vmem>>, vector<16xf32>,
    %swap3A_398 = vector.shape_cast %swap3A_397 : vector<16xf32> to vector<16xf32>
    %swap3A_399 = vector.shape_cast %sub3A_395 : vector<16xf32> to vector<16xf32>
    tpu.vector_store %arg9[%swap3A_396], %swap3A_399 {strides = array<i32>} : memref<512xf32, #tpu.memory_space<vmem>>, vector<16xf32>,
    %get3A_400 = arith.constant 288 : index
    %get3A_401 = tpu.vector_load %arg9[%get3A_400] {strides = array<i32>} : memref<512xf32, #tpu.memory_space<vmem>>, vector<16xf32>,
    %get3A_402 = vector.shape_cast %get3A_401 : vector<16xf32> to vector<16xf32>
    %get3A_403 = arith.constant 288 : index
    %get3A_404 = tpu.vector_load %arg10[%get3A_403] {strides = array<i32>} : memref<512xf32, #tpu.memory_space<vmem>>, vector<16xf32>,
    %get3A_405 = vector.shape_cast %get3A_404 : vector<16xf32> to vector<16xf32>
    %sub3A_406 = arith.subf %get3A_402, %get3A_405 : vector<16xf32>
    %swap3A_407 = arith.constant 288 : index
    %swap3A_408 = tpu.vector_load %arg9[%swap3A_407] {strides = array<i32>} : memref<512xf32, #tpu.memory_space<vmem>>, vector<16xf32>,
    %swap3A_409 = vector.shape_cast %swap3A_408 : vector<16xf32> to vector<16xf32>
    %swap3A_410 = vector.shape_cast %sub3A_406 : vector<16xf32> to vector<16xf32>
    tpu.vector_store %arg9[%swap3A_407], %swap3A_410 {strides = array<i32>} : memref<512xf32, #tpu.memory_space<vmem>>, vector<16xf32>,
    %get3A_411 = arith.constant 304 : index
    %get3A_412 = tpu.vector_load %arg9[%get3A_411] {strides = array<i32>} : memref<512xf32, #tpu.memory_space<vmem>>, vector<16xf32>,
    %get3A_413 = vector.shape_cast %get3A_412 : vector<16xf32> to vector<16xf32>
    %get3A_414 = arith.constant 304 : index
    %get3A_415 = tpu.vector_load %arg10[%get3A_414] {strides = array<i32>} : memref<512xf32, #tpu.memory_space<vmem>>, vector<16xf32>,
    %get3A_416 = vector.shape_cast %get3A_415 : vector<16xf32> to vector<16xf32>
    %sub3A_417 = arith.subf %get3A_413, %get3A_416 : vector<16xf32>
    %swap3A_418 = arith.constant 304 : index
    %swap3A_419 = tpu.vector_load %arg9[%swap3A_418] {strides = array<i32>} : memref<512xf32, #tpu.memory_space<vmem>>, vector<16xf32>,
    %swap3A_420 = vector.shape_cast %swap3A_419 : vector<16xf32> to vector<16xf32>
    %swap3A_421 = vector.shape_cast %sub3A_417 : vector<16xf32> to vector<16xf32>
    tpu.vector_store %arg9[%swap3A_418], %swap3A_421 {strides = array<i32>} : memref<512xf32, #tpu.memory_space<vmem>>, vector<16xf32>,
    %get3A_422 = arith.constant 320 : index
    %get3A_423 = tpu.vector_load %arg9[%get3A_422] {strides = array<i32>} : memref<512xf32, #tpu.memory_space<vmem>>, vector<16xf32>,
    %get3A_424 = vector.shape_cast %get3A_423 : vector<16xf32> to vector<16xf32>
    %get3A_425 = arith.constant 320 : index
    %get3A_426 = tpu.vector_load %arg10[%get3A_425] {strides = array<i32>} : memref<512xf32, #tpu.memory_space<vmem>>, vector<16xf32>,
    %get3A_427 = vector.shape_cast %get3A_426 : vector<16xf32> to vector<16xf32>
    %sub3A_428 = arith.subf %get3A_424, %get3A_427 : vector<16xf32>
    %swap3A_429 = arith.constant 320 : index
    %swap3A_430 = tpu.vector_load %arg9[%swap3A_429] {strides = array<i32>} : memref<512xf32, #tpu.memory_space<vmem>>, vector<16xf32>,
    %swap3A_431 = vector.shape_cast %swap3A_430 : vector<16xf32> to vector<16xf32>
    %swap3A_432 = vector.shape_cast %sub3A_428 : vector<16xf32> to vector<16xf32>
    tpu.vector_store %arg9[%swap3A_429], %swap3A_432 {strides = array<i32>} : memref<512xf32, #tpu.memory_space<vmem>>, vector<16xf32>,
    %get3A_433 = arith.constant 336 : index
    %get3A_434 = tpu.vector_load %arg9[%get3A_433] {strides = array<i32>} : memref<512xf32, #tpu.memory_space<vmem>>, vector<16xf32>,
    %get3A_435 = vector.shape_cast %get3A_434 : vector<16xf32> to vector<16xf32>
    %get3A_436 = arith.constant 336 : index
    %get3A_437 = tpu.vector_load %arg10[%get3A_436] {strides = array<i32>} : memref<512xf32, #tpu.memory_space<vmem>>, vector<16xf32>,
    %get3A_438 = vector.shape_cast %get3A_437 : vector<16xf32> to vector<16xf32>
    %sub3A_439 = arith.subf %get3A_435, %get3A_438 : vector<16xf32>
    %swap3A_440 = arith.constant 336 : index
    %swap3A_441 = tpu.vector_load %arg9[%swap3A_440] {strides = array<i32>} : memref<512xf32, #tpu.memory_space<vmem>>, vector<16xf32>,
    %swap3A_442 = vector.shape_cast %swap3A_441 : vector<16xf32> to vector<16xf32>
    %swap3A_443 = vector.shape_cast %sub3A_439 : vector<16xf32> to vector<16xf32>
    tpu.vector_store %arg9[%swap3A_440], %swap3A_443 {strides = array<i32>} : memref<512xf32, #tpu.memory_space<vmem>>, vector<16xf32>,
    %get3A_444 = arith.constant 352 : index
    %get3A_445 = tpu.vector_load %arg9[%get3A_444] {strides = array<i32>} : memref<512xf32, #tpu.memory_space<vmem>>, vector<16xf32>,
    %get3A_446 = vector.shape_cast %get3A_445 : vector<16xf32> to vector<16xf32>
    %get3A_447 = arith.constant 352 : index
    %get3A_448 = tpu.vector_load %arg10[%get3A_447] {strides = array<i32>} : memref<512xf32, #tpu.memory_space<vmem>>, vector<16xf32>,
    %get3A_449 = vector.shape_cast %get3A_448 : vector<16xf32> to vector<16xf32>
    %sub3A_450 = arith.subf %get3A_446, %get3A_449 : vector<16xf32>
    %swap3A_451 = arith.constant 352 : index
    %swap3A_452 = tpu.vector_load %arg9[%swap3A_451] {strides = array<i32>} : memref<512xf32, #tpu.memory_space<vmem>>, vector<16xf32>,
    %swap3A_453 = vector.shape_cast %swap3A_452 : vector<16xf32> to vector<16xf32>
    %swap3A_454 = vector.shape_cast %sub3A_450 : vector<16xf32> to vector<16xf32>
    tpu.vector_store %arg9[%swap3A_451], %swap3A_454 {strides = array<i32>} : memref<512xf32, #tpu.memory_space<vmem>>, vector<16xf32>,
    %get3A_455 = arith.constant 368 : index
    %get3A_456 = tpu.vector_load %arg9[%get3A_455] {strides = array<i32>} : memref<512xf32, #tpu.memory_space<vmem>>, vector<16xf32>,
    %get3A_457 = vector.shape_cast %get3A_456 : vector<16xf32> to vector<16xf32>
    %get3A_458 = arith.constant 368 : index
    %get3A_459 = tpu.vector_load %arg10[%get3A_458] {strides = array<i32>} : memref<512xf32, #tpu.memory_space<vmem>>, vector<16xf32>,
    %get3A_460 = vector.shape_cast %get3A_459 : vector<16xf32> to vector<16xf32>
    %sub3A_461 = arith.subf %get3A_457, %get3A_460 : vector<16xf32>
    %swap3A_462 = arith.constant 368 : index
    %swap3A_463 = tpu.vector_load %arg9[%swap3A_462] {strides = array<i32>} : memref<512xf32, #tpu.memory_space<vmem>>, vector<16xf32>,
    %swap3A_464 = vector.shape_cast %swap3A_463 : vector<16xf32> to vector<16xf32>
    %swap3A_465 = vector.shape_cast %sub3A_461 : vector<16xf32> to vector<16xf32>
    tpu.vector_store %arg9[%swap3A_462], %swap3A_465 {strides = array<i32>} : memref<512xf32, #tpu.memory_space<vmem>>, vector<16xf32>,
    %add3A_466 = arith.constant 256 : i32
    %add3A_467 = arith.addi %mul3A_2, %add3A_466 : i32
    %dma_start3A_468 = arith.constant 256 : i32
    %dma_start3A_469 = tpu.memref_slice %arg9[%dma_start3A_468] : memref<512xf32, #tpu.memory_space<vmem>> -> memref<128xf32, #tpu.memory_space<vmem>>
    %dma_start3A_470 = tpu.memref_slice %arg6[%add3A_467] : memref<16384xf32, #tpu.memory_space<hbm>> -> memref<128xf32, #tpu.memory_space<hbm>>
    %dma_start3A_471 = tpu.memref_slice %arg6[%add3A_467] : memref<16384xf32, #tpu.memory_space<hbm>> -> memref<128xf32, #tpu.memory_space<hbm>>
    %dma_start3A_472 = arith.constant 256 : i32
    %dma_start3A_473 = tpu.memref_slice %arg9[%dma_start3A_472] : memref<512xf32, #tpu.memory_space<vmem>> -> memref<128xf32, #tpu.memory_space<vmem>>
    tpu.enqueue_dma source(%dma_start3A_473 : memref<128xf32, #tpu.memory_space<vmem>>) target(%dma_start3A_471 : memref<128xf32, #tpu.memory_space<hbm>>) target_semaphore(%arg27 : memref<!tpu.dma_semaphore, #tpu.memory_space<semaphore_mem>>)
    %dma_wait3A_474 = arith.constant 384 : i32
    %dma_wait3A_475 = tpu.memref_slice %arg9[%dma_wait3A_474] : memref<512xf32, #tpu.memory_space<vmem>> -> memref<128xf32, #tpu.memory_space<vmem>>
    %dma_wait3A_476 = arith.constant 384 : i32
    %dma_wait3A_477 = tpu.memref_slice %arg7[%dma_wait3A_476] : memref<512xi32, #tpu.memory_space<vmem>> -> memref<128xi32, #tpu.memory_space<vmem>>
    %dma_wait3A_478 = arith.constant 0 : i32
    %dma_wait3A_479 = tpu.memref_slice %arg4[%dma_wait3A_478] : memref<100000xf32, #tpu.memory_space<hbm>> -> memref<100000xf32, #tpu.memory_space<hbm>>
    tpu.wait_indirect_dma semaphore(%arg22 : memref<!tpu.dma_semaphore, #tpu.memory_space<semaphore_mem>>) src(%dma_wait3A_479 : memref<100000xf32, #tpu.memory_space<hbm>>) dst(%dma_wait3A_475 : memref<128xf32, #tpu.memory_space<vmem>>)
    %dma_wait3A_480 = arith.constant 384 : i32
    %dma_wait3A_481 = tpu.memref_slice %arg10[%dma_wait3A_480] : memref<512xf32, #tpu.memory_space<vmem>> -> memref<128xf32, #tpu.memory_space<vmem>>
    %dma_wait3A_482 = arith.constant 384 : i32
    %dma_wait3A_483 = tpu.memref_slice %arg8[%dma_wait3A_482] : memref<512xi32, #tpu.memory_space<vmem>> -> memref<128xi32, #tpu.memory_space<vmem>>
    %dma_wait3A_484 = arith.constant 0 : i32
    %dma_wait3A_485 = tpu.memref_slice %arg5[%dma_wait3A_484] : memref<1000000xf32, #tpu.memory_space<hbm>> -> memref<1000000xf32, #tpu.memory_space<hbm>>
    tpu.wait_indirect_dma semaphore(%arg26 : memref<!tpu.dma_semaphore, #tpu.memory_space<semaphore_mem>>) src(%dma_wait3A_485 : memref<1000000xf32, #tpu.memory_space<hbm>>) dst(%dma_wait3A_481 : memref<128xf32, #tpu.memory_space<vmem>>)
    %get3A_486 = arith.constant 384 : index
    %get3A_487 = tpu.vector_load %arg9[%get3A_486] {strides = array<i32>} : memref<512xf32, #tpu.memory_space<vmem>>, vector<16xf32>,
    %get3A_488 = vector.shape_cast %get3A_487 : vector<16xf32> to vector<16xf32>
    %get3A_489 = arith.constant 384 : index
    %get3A_490 = tpu.vector_load %arg10[%get3A_489] {strides = array<i32>} : memref<512xf32, #tpu.memory_space<vmem>>, vector<16xf32>,
    %get3A_491 = vector.shape_cast %get3A_490 : vector<16xf32> to vector<16xf32>
    %sub3A_492 = arith.subf %get3A_488, %get3A_491 : vector<16xf32>
    %swap3A_493 = arith.constant 384 : index
    %swap3A_494 = tpu.vector_load %arg9[%swap3A_493] {strides = array<i32>} : memref<512xf32, #tpu.memory_space<vmem>>, vector<16xf32>,
    %swap3A_495 = vector.shape_cast %swap3A_494 : vector<16xf32> to vector<16xf32>
    %swap3A_496 = vector.shape_cast %sub3A_492 : vector<16xf32> to vector<16xf32>
    tpu.vector_store %arg9[%swap3A_493], %swap3A_496 {strides = array<i32>} : memref<512xf32, #tpu.memory_space<vmem>>, vector<16xf32>,
    %get3A_497 = arith.constant 400 : index
    %get3A_498 = tpu.vector_load %arg9[%get3A_497] {strides = array<i32>} : memref<512xf32, #tpu.memory_space<vmem>>, vector<16xf32>,
    %get3A_499 = vector.shape_cast %get3A_498 : vector<16xf32> to vector<16xf32>
    %get3A_500 = arith.constant 400 : index
    %get3A_501 = tpu.vector_load %arg10[%get3A_500] {strides = array<i32>} : memref<512xf32, #tpu.memory_space<vmem>>, vector<16xf32>,
    %get3A_502 = vector.shape_cast %get3A_501 : vector<16xf32> to vector<16xf32>
    %sub3A_503 = arith.subf %get3A_499, %get3A_502 : vector<16xf32>
    %swap3A_504 = arith.constant 400 : index
    %swap3A_505 = tpu.vector_load %arg9[%swap3A_504] {strides = array<i32>} : memref<512xf32, #tpu.memory_space<vmem>>, vector<16xf32>,
    %swap3A_506 = vector.shape_cast %swap3A_505 : vector<16xf32> to vector<16xf32>
    %swap3A_507 = vector.shape_cast %sub3A_503 : vector<16xf32> to vector<16xf32>
    tpu.vector_store %arg9[%swap3A_504], %swap3A_507 {strides = array<i32>} : memref<512xf32, #tpu.memory_space<vmem>>, vector<16xf32>,
    %get3A_508 = arith.constant 416 : index
    %get3A_509 = tpu.vector_load %arg9[%get3A_508] {strides = array<i32>} : memref<512xf32, #tpu.memory_space<vmem>>, vector<16xf32>,
    %get3A_510 = vector.shape_cast %get3A_509 : vector<16xf32> to vector<16xf32>
    %get3A_511 = arith.constant 416 : index
    %get3A_512 = tpu.vector_load %arg10[%get3A_511] {strides = array<i32>} : memref<512xf32, #tpu.memory_space<vmem>>, vector<16xf32>,
    %get3A_513 = vector.shape_cast %get3A_512 : vector<16xf32> to vector<16xf32>
    %sub3A_514 = arith.subf %get3A_510, %get3A_513 : vector<16xf32>
    %swap3A_515 = arith.constant 416 : index
    %swap3A_516 = tpu.vector_load %arg9[%swap3A_515] {strides = array<i32>} : memref<512xf32, #tpu.memory_space<vmem>>, vector<16xf32>,
    %swap3A_517 = vector.shape_cast %swap3A_516 : vector<16xf32> to vector<16xf32>
    %swap3A_518 = vector.shape_cast %sub3A_514 : vector<16xf32> to vector<16xf32>
    tpu.vector_store %arg9[%swap3A_515], %swap3A_518 {strides = array<i32>} : memref<512xf32, #tpu.memory_space<vmem>>, vector<16xf32>,
    %get3A_519 = arith.constant 432 : index
    %get3A_520 = tpu.vector_load %arg9[%get3A_519] {strides = array<i32>} : memref<512xf32, #tpu.memory_space<vmem>>, vector<16xf32>,
    %get3A_521 = vector.shape_cast %get3A_520 : vector<16xf32> to vector<16xf32>
    %get3A_522 = arith.constant 432 : index
    %get3A_523 = tpu.vector_load %arg10[%get3A_522] {strides = array<i32>} : memref<512xf32, #tpu.memory_space<vmem>>, vector<16xf32>,
    %get3A_524 = vector.shape_cast %get3A_523 : vector<16xf32> to vector<16xf32>
    %sub3A_525 = arith.subf %get3A_521, %get3A_524 : vector<16xf32>
    %swap3A_526 = arith.constant 432 : index
    %swap3A_527 = tpu.vector_load %arg9[%swap3A_526] {strides = array<i32>} : memref<512xf32, #tpu.memory_space<vmem>>, vector<16xf32>,
    %swap3A_528 = vector.shape_cast %swap3A_527 : vector<16xf32> to vector<16xf32>
    %swap3A_529 = vector.shape_cast %sub3A_525 : vector<16xf32> to vector<16xf32>
    tpu.vector_store %arg9[%swap3A_526], %swap3A_529 {strides = array<i32>} : memref<512xf32, #tpu.memory_space<vmem>>, vector<16xf32>,
    %get3A_530 = arith.constant 448 : index
    %get3A_531 = tpu.vector_load %arg9[%get3A_530] {strides = array<i32>} : memref<512xf32, #tpu.memory_space<vmem>>, vector<16xf32>,
    %get3A_532 = vector.shape_cast %get3A_531 : vector<16xf32> to vector<16xf32>
    %get3A_533 = arith.constant 448 : index
    %get3A_534 = tpu.vector_load %arg10[%get3A_533] {strides = array<i32>} : memref<512xf32, #tpu.memory_space<vmem>>, vector<16xf32>,
    %get3A_535 = vector.shape_cast %get3A_534 : vector<16xf32> to vector<16xf32>
    %sub3A_536 = arith.subf %get3A_532, %get3A_535 : vector<16xf32>
    %swap3A_537 = arith.constant 448 : index
    %swap3A_538 = tpu.vector_load %arg9[%swap3A_537] {strides = array<i32>} : memref<512xf32, #tpu.memory_space<vmem>>, vector<16xf32>,
    %swap3A_539 = vector.shape_cast %swap3A_538 : vector<16xf32> to vector<16xf32>
    %swap3A_540 = vector.shape_cast %sub3A_536 : vector<16xf32> to vector<16xf32>
    tpu.vector_store %arg9[%swap3A_537], %swap3A_540 {strides = array<i32>} : memref<512xf32, #tpu.memory_space<vmem>>, vector<16xf32>,
    %get3A_541 = arith.constant 464 : index
    %get3A_542 = tpu.vector_load %arg9[%get3A_541] {strides = array<i32>} : memref<512xf32, #tpu.memory_space<vmem>>, vector<16xf32>,
    %get3A_543 = vector.shape_cast %get3A_542 : vector<16xf32> to vector<16xf32>
    %get3A_544 = arith.constant 464 : index
    %get3A_545 = tpu.vector_load %arg10[%get3A_544] {strides = array<i32>} : memref<512xf32, #tpu.memory_space<vmem>>, vector<16xf32>,
    %get3A_546 = vector.shape_cast %get3A_545 : vector<16xf32> to vector<16xf32>
    %sub3A_547 = arith.subf %get3A_543, %get3A_546 : vector<16xf32>
    %swap3A_548 = arith.constant 464 : index
    %swap3A_549 = tpu.vector_load %arg9[%swap3A_548] {strides = array<i32>} : memref<512xf32, #tpu.memory_space<vmem>>, vector<16xf32>,
    %swap3A_550 = vector.shape_cast %swap3A_549 : vector<16xf32> to vector<16xf32>
    %swap3A_551 = vector.shape_cast %sub3A_547 : vector<16xf32> to vector<16xf32>
    tpu.vector_store %arg9[%swap3A_548], %swap3A_551 {strides = array<i32>} : memref<512xf32, #tpu.memory_space<vmem>>, vector<16xf32>,
    %get3A_552 = arith.constant 480 : index
    %get3A_553 = tpu.vector_load %arg9[%get3A_552] {strides = array<i32>} : memref<512xf32, #tpu.memory_space<vmem>>, vector<16xf32>,
    %get3A_554 = vector.shape_cast %get3A_553 : vector<16xf32> to vector<16xf32>
    %get3A_555 = arith.constant 480 : index
    %get3A_556 = tpu.vector_load %arg10[%get3A_555] {strides = array<i32>} : memref<512xf32, #tpu.memory_space<vmem>>, vector<16xf32>,
    %get3A_557 = vector.shape_cast %get3A_556 : vector<16xf32> to vector<16xf32>
    %sub3A_558 = arith.subf %get3A_554, %get3A_557 : vector<16xf32>
    %swap3A_559 = arith.constant 480 : index
    %swap3A_560 = tpu.vector_load %arg9[%swap3A_559] {strides = array<i32>} : memref<512xf32, #tpu.memory_space<vmem>>, vector<16xf32>,
    %swap3A_561 = vector.shape_cast %swap3A_560 : vector<16xf32> to vector<16xf32>
    %swap3A_562 = vector.shape_cast %sub3A_558 : vector<16xf32> to vector<16xf32>
    tpu.vector_store %arg9[%swap3A_559], %swap3A_562 {strides = array<i32>} : memref<512xf32, #tpu.memory_space<vmem>>, vector<16xf32>,
    %get3A_563 = arith.constant 496 : index
    %get3A_564 = tpu.vector_load %arg9[%get3A_563] {strides = array<i32>} : memref<512xf32, #tpu.memory_space<vmem>>, vector<16xf32>,
    %get3A_565 = vector.shape_cast %get3A_564 : vector<16xf32> to vector<16xf32>
    %get3A_566 = arith.constant 496 : index
    %get3A_567 = tpu.vector_load %arg10[%get3A_566] {strides = array<i32>} : memref<512xf32, #tpu.memory_space<vmem>>, vector<16xf32>,
    %get3A_568 = vector.shape_cast %get3A_567 : vector<16xf32> to vector<16xf32>
    %sub3A_569 = arith.subf %get3A_565, %get3A_568 : vector<16xf32>
    %swap3A_570 = arith.constant 496 : index
    %swap3A_571 = tpu.vector_load %arg9[%swap3A_570] {strides = array<i32>} : memref<512xf32, #tpu.memory_space<vmem>>, vector<16xf32>,
    %swap3A_572 = vector.shape_cast %swap3A_571 : vector<16xf32> to vector<16xf32>
    %swap3A_573 = vector.shape_cast %sub3A_569 : vector<16xf32> to vector<16xf32>
    tpu.vector_store %arg9[%swap3A_570], %swap3A_573 {strides = array<i32>} : memref<512xf32, #tpu.memory_space<vmem>>, vector<16xf32>,
    %add3A_574 = arith.constant 384 : i32
    %add3A_575 = arith.addi %mul3A_2, %add3A_574 : i32
    %dma_start3A_576 = arith.constant 384 : i32
    %dma_start3A_577 = tpu.memref_slice %arg9[%dma_start3A_576] : memref<512xf32, #tpu.memory_space<vmem>> -> memref<128xf32, #tpu.memory_space<vmem>>
    %dma_start3A_578 = tpu.memref_slice %arg6[%add3A_575] : memref<16384xf32, #tpu.memory_space<hbm>> -> memref<128xf32, #tpu.memory_space<hbm>>
    %dma_start3A_579 = tpu.memref_slice %arg6[%add3A_575] : memref<16384xf32, #tpu.memory_space<hbm>> -> memref<128xf32, #tpu.memory_space<hbm>>
    %dma_start3A_580 = arith.constant 384 : i32
    %dma_start3A_581 = tpu.memref_slice %arg9[%dma_start3A_580] : memref<512xf32, #tpu.memory_space<vmem>> -> memref<128xf32, #tpu.memory_space<vmem>>
    tpu.enqueue_dma source(%dma_start3A_581 : memref<128xf32, #tpu.memory_space<vmem>>) target(%dma_start3A_579 : memref<128xf32, #tpu.memory_space<hbm>>) target_semaphore(%arg27 : memref<!tpu.dma_semaphore, #tpu.memory_space<semaphore_mem>>)
    %dma_wait3A_582 = arith.constant 0 : i32
    %dma_wait3A_583 = tpu.memref_slice %arg9[%dma_wait3A_582] : memref<512xf32, #tpu.memory_space<vmem>> -> memref<128xf32, #tpu.memory_space<vmem>>
    %dma_wait3A_584 = tpu.memref_slice %arg6[%add3A_251] : memref<16384xf32, #tpu.memory_space<hbm>> -> memref<128xf32, #tpu.memory_space<hbm>>
    %dma_wait3A_585 = tpu.memref_slice %arg6[%add3A_251] : memref<16384xf32, #tpu.memory_space<hbm>> -> memref<128xf32, #tpu.memory_space<hbm>>
    %dma_wait3A_586 = arith.constant 0 : i32
    %dma_wait3A_587 = tpu.memref_slice %arg9[%dma_wait3A_586] : memref<512xf32, #tpu.memory_space<vmem>> -> memref<128xf32, #tpu.memory_space<vmem>>
    tpu.wait_dma2 semaphore(%arg27 : memref<!tpu.dma_semaphore, #tpu.memory_space<semaphore_mem>>) src(%dma_wait3A_587 : memref<128xf32, #tpu.memory_space<vmem>>) dst(%dma_wait3A_585 : memref<128xf32, #tpu.memory_space<hbm>>)
    %dma_wait3A_588 = arith.constant 128 : i32
    %dma_wait3A_589 = tpu.memref_slice %arg9[%dma_wait3A_588] : memref<512xf32, #tpu.memory_space<vmem>> -> memref<128xf32, #tpu.memory_space<vmem>>
    %dma_wait3A_590 = tpu.memref_slice %arg6[%add3A_359] : memref<16384xf32, #tpu.memory_space<hbm>> -> memref<128xf32, #tpu.memory_space<hbm>>
    %dma_wait3A_591 = tpu.memref_slice %arg6[%add3A_359] : memref<16384xf32, #tpu.memory_space<hbm>> -> memref<128xf32, #tpu.memory_space<hbm>>
    %dma_wait3A_592 = arith.constant 128 : i32
    %dma_wait3A_593 = tpu.memref_slice %arg9[%dma_wait3A_592] : memref<512xf32, #tpu.memory_space<vmem>> -> memref<128xf32, #tpu.memory_space<vmem>>
    tpu.wait_dma2 semaphore(%arg27 : memref<!tpu.dma_semaphore, #tpu.memory_space<semaphore_mem>>) src(%dma_wait3A_593 : memref<128xf32, #tpu.memory_space<vmem>>) dst(%dma_wait3A_591 : memref<128xf32, #tpu.memory_space<hbm>>)
    %dma_wait3A_594 = arith.constant 256 : i32
    %dma_wait3A_595 = tpu.memref_slice %arg9[%dma_wait3A_594] : memref<512xf32, #tpu.memory_space<vmem>> -> memref<128xf32, #tpu.memory_space<vmem>>
    %dma_wait3A_596 = tpu.memref_slice %arg6[%add3A_467] : memref<16384xf32, #tpu.memory_space<hbm>> -> memref<128xf32, #tpu.memory_space<hbm>>
    %dma_wait3A_597 = tpu.memref_slice %arg6[%add3A_467] : memref<16384xf32, #tpu.memory_space<hbm>> -> memref<128xf32, #tpu.memory_space<hbm>>
    %dma_wait3A_598 = arith.constant 256 : i32
    %dma_wait3A_599 = tpu.memref_slice %arg9[%dma_wait3A_598] : memref<512xf32, #tpu.memory_space<vmem>> -> memref<128xf32, #tpu.memory_space<vmem>>
    tpu.wait_dma2 semaphore(%arg27 : memref<!tpu.dma_semaphore, #tpu.memory_space<semaphore_mem>>) src(%dma_wait3A_599 : memref<128xf32, #tpu.memory_space<vmem>>) dst(%dma_wait3A_597 : memref<128xf32, #tpu.memory_space<hbm>>)
    %dma_wait3A_600 = arith.constant 384 : i32
    %dma_wait3A_601 = tpu.memref_slice %arg9[%dma_wait3A_600] : memref<512xf32, #tpu.memory_space<vmem>> -> memref<128xf32, #tpu.memory_space<vmem>>
    %dma_wait3A_602 = tpu.memref_slice %arg6[%add3A_575] : memref<16384xf32, #tpu.memory_space<hbm>> -> memref<128xf32, #tpu.memory_space<hbm>>
    %dma_wait3A_603 = tpu.memref_slice %arg6[%add3A_575] : memref<16384xf32, #tpu.memory_space<hbm>> -> memref<128xf32, #tpu.memory_space<hbm>>
    %dma_wait3A_604 = arith.constant 384 : i32
    %dma_wait3A_605 = tpu.memref_slice %arg9[%dma_wait3A_604] : memref<512xf32, #tpu.memory_space<vmem>> -> memref<128xf32, #tpu.memory_space<vmem>>
    tpu.wait_dma2 semaphore(%arg27 : memref<!tpu.dma_semaphore, #tpu.memory_space<semaphore_mem>>) src(%dma_wait3A_605 : memref<128xf32, #tpu.memory_space<vmem>>) dst(%dma_wait3A_603 : memref<128xf32, #tpu.memory_space<hbm>>)
    return
  }
}

module attributes {stable_mosaic.version = 14 : i64} {
  func.func @_flatten_pair_body(%arg0: i32, %arg1: memref<1x131072xf32, #tpu.memory_space<vmem>>, %arg2: memref<1x507904xf32, #tpu.memory_space<vmem>>, %arg3: memref<131072xf32, #tpu.memory_space<vmem>>, %arg4: memref<507904xf32, #tpu.memory_space<vmem>>) attributes {dimension_semantics = [#tpu.dimension_semantics<arbitrary>], iteration_bounds = array<i64: 2>, scalar_prefetch = 0 : i64, scratch_operands = 0 : i64, tpu.core_type = #tpu.core_type<tc>, window_params = [{transform_indices = @transform_0, window_bounds = array<i64: 1, 131072>}, {transform_indices = @transform_1, window_bounds = array<i64: 1, 507904>}, {transform_indices = @transform_2, window_bounds = array<i64: 131072>}, {transform_indices = @transform_3, window_bounds = array<i64: 507904>}]} {
    %eq3A = arith.constant 0 : i32
    %eq3A_0 = arith.cmpi eq, %arg0, %eq3A : i32
    %convert_element_type3A = arith.extui %eq3A_0 : i1 to i32
    %cond3A = arith.constant 0 : i32
    %cond3A_1 = arith.cmpi ne, %convert_element_type3A, %cond3A : i32
    scf.if %cond3A_1 {
      %get3A_5 = arith.constant 0 : index
      %get3A_6 = arith.constant 0 : index
      %get3A_7 = vector.load %arg1[%get3A_5, %get3A_6] : memref<1x131072xf32, #tpu.memory_space<vmem>>, vector<1x131072xf32>
      %reshape3A_8 = vector.shape_cast %get3A_7 : vector<1x131072xf32> to vector<131072xf32>
      %swap3A_9 = arith.constant 0 : index
      %swap3A_10 = vector.load %arg3[%swap3A_9] : memref<131072xf32, #tpu.memory_space<vmem>>, vector<131072xf32>
      tpu.vector_store %arg3[%swap3A_9], %reshape3A_8 {strides = array<i32>} : memref<131072xf32, #tpu.memory_space<vmem>>, vector<131072xf32>,
    } else {
    }
    %get3A = arith.constant 0 : index
    %get3A_2 = arith.constant 0 : index
    %get3A_3 = vector.load %arg2[%get3A, %get3A_2] : memref<1x507904xf32, #tpu.memory_space<vmem>>, vector<1x507904xf32>
    %reshape3A = vector.shape_cast %get3A_3 : vector<1x507904xf32> to vector<507904xf32>
    %swap3A = arith.constant 0 : index
    %swap3A_4 = vector.load %arg4[%swap3A] : memref<507904xf32, #tpu.memory_space<vmem>>, vector<507904xf32>
    tpu.vector_store %arg4[%swap3A], %reshape3A {strides = array<i32>} : memref<507904xf32, #tpu.memory_space<vmem>>, vector<507904xf32>,
    return
  }
  func.func @transform_0(%arg0: i32) -> (i32, i32) {
    %c0_i32 = arith.constant 0 : i32
    %c0_i32_0 = arith.constant 0 : i32
    %c0_i32_1 = arith.constant 0 : i32
    return %c0_i32, %c0_i32_0 : i32, i32
  }
  func.func @transform_1(%arg0: i32) -> (i32, i32) {
    %c0_i32 = arith.constant 0 : i32
    %c0_i32_0 = arith.constant 0 : i32
    return %c0_i32, %arg0 : i32, i32
  }
  func.func @transform_2(%arg0: i32) -> i32 {
    %c0_i32 = arith.constant 0 : i32
    %c0_i32_0 = arith.constant 0 : i32
    return %c0_i32 : i32
  }
  func.func @transform_3(%arg0: i32) -> i32 {
    %c0_i32 = arith.constant 0 : i32
    return %arg0 : i32
  }
}

</mosaic_0001>

<sc_bundles>
// kernel: kernel.4.cloned.1.call-start
scs
__scs_entry_jumppad:
0x0: {  	(pc) =	sbr.rel $0x88, $3  }
0x1: {  	(tag) =	ssettag $0x0;
	lr =	simm.s32 $0x1  }
0x2: {  	[smem:$0x3F9D] =	sst lr;
	_ =	strace $0xD0000000  }
0x3: {  	_ = 	snop  }
0x4: {  	_ = 	snop  }
0x5: {  	_ = 	snop  }
0x6: {  	_ = 	snop  }
0x7: {  	_ = 	snop  }
__scs_overlays_trampoline_lowered:
0x8: {  	[smem:$0x3FAC] =	sst s0  }
0x9: {  	[smem:$0x3FAD] =	sst s1  }
0xa: {  	[smem:$0x3FAE] =	sst s2  }
0xb: {  	[smem:$0x3FAF] =	sst s3  }
0xc: {  	[smem:$0x3FB0] =	sst s4  }
0xd: {  	[smem:$0x3FB1] =	sst s5  }
0xe: {  	[smem:$0x3FB2] =	sst s6  }
0xf: {  	[smem:$0x3FB3] =	sst s7  }
0x10: {  	[smem:$0x3FB4] =	sst s8  }
0x11: {  	[smem:$0x3FB5] =	sst s9;
	s0 =	simm.s32 @!p0 $0x0  }
0x12: {  	s1 =	sld [smem:$0x3F9B];
	s0 =	simm.s32 @p0 $0x1  }
0x13: {  	[smem:$0x3FB6] =	sst s0;
	s0 =	simm.s32 @!p1 $0x0  }
0x14: {  	s2 =	sld [smem:$0x3F9A];
	s0 =	simm.s32 @p1 $0x1  }
0x15: {  	[smem:$0x3FB7] =	sst s0;
	s0 =	simm.s32 @!p2 $0x0  }
0x16: {  	s3 =	sld [smem:$0x3FDB];
	s0 =	simm.s32 @p2 $0x1  }
0x17: {  	s4 =	simm.s32 $0x1BF5;
	[smem:$0x3FB9] =	sst s0  }
0x18: {  	s0 =	sld [smem:$0x3F9C];
	_ =	swait.ge [sflag:s4], $0x0  }
0x19: {  	s7 =	sld [smem:$0x3F9D]  }
0x1a: {  	s8 =	sadd.s32 $0xFFFFE003, lr  }
0x1b: {  	s9 =	sadd.s32 $0xFFFFFEF7, lr;
	s5 =	simm.s32 $0xFFFFFFFF;
	p2 =	slt.u32 s8, $0xFFFFF086  }
0x1c: {  	p1 =	slt.u32 s9, $0xF7A;
	s5 =	simm.s32 @!p2 $0x0  }
0x1d: {  	s5 =	simm.s32 @p1 $0x1;
	p0 =	seq.s32 s7, s2  }
0x1e: {  	s7 =	smul.u32 @!p0 $0xF7A, s2;
	p2 =	seq.s32 @!p0 s5, $0x0  }
0x1f: {  	s9 =	smul.u32 $0xF7A, s1;
	s8 =	simm.s32 @!p0 $0x1BF5;
	p2 =	por !p2, p0  }
0x20: {  	[sflag:s8] =	ssyncset.s32 @!p0 $0xFFFFF086;
	s6 =	sadd.s32 @!p0 s3, s7;
	s7 =	simm.s32 @!p0 $0x108  }
0x21: {  	s3 =	sadd.s32 s3, s9;
	s6 =	sadd.s32 @!p0 $0x88, s6;
	s7 =	simm.s32 @p2 $0x1082  }
0x22: {  	[simem:s7], [sflag:s8] =	dma.local @!p0 [hbm:s6], $0xF7A  }
0x23: {  	s9 =	sor.u32 $0xD0000000, s2;
	s6 =	simm.s32 $0x108;
	_ =	swait.ge @!p0 [sflag:s8], $0x0  }
0x24: {  	s3 =	sadd.s32 $0x88, s3;
	s6 =	simm.s32 @!p1 $0x1082;
	[sflag:s4] =	ssyncset.s32 $0xFFFFF086  }
0x25: {  	[simem:s6], [sflag:s4] =	dma.local [hbm:s3], $0xF7A  }
0x26: {  	[smem:$0x3F9D] =	sst s1;
	(tag) =	ssettag s2;
	_ =	strace s9  }
0x27: {  	s1 =	sld [smem:$0x3FAD]  }
0x28: {  	s2 =	sld [smem:$0x3FAE]  }
0x29: {  	s4 =	sld [smem:$0x3FB0]  }
0x2a: {  	p0 =	seq.s32 s5, $0x0;
	s5 =	sld [smem:$0x3FB1]  }
0x2b: {  	s6 =	sld [smem:$0x3FB2]  }
0x2c: {  	s7 =	sld [smem:$0x3FB3]  }
0x2d: {  	s3 =	simm.s32 $0x108;
	s8 =	sld [smem:$0x3FB4]  }
0x2e: {  	s3 =	simm.s32 @!p0 $0x1082;
	s9 =	sld [smem:$0x3FB5]  }
0x2f: {  	lr =	sadd.s32 s0, s3;
	s0 =	sld [smem:$0x3FAC]  }
0x30: {  	s3 =	sld [smem:$0x3FAF]  }
0x31: {  	[smem:$0x3FB8] =	sst s10  }
0x32: {  	s10 =	sld [smem:$0x3FB6];
	_ =	sdelay $0x3  }
0x33: {  	p0 =	seq.s32 s10, $0x1;
	s10 =	sld [smem:$0x3FB8];
	_ =	sdelay $0x3  }
0x34: {  	[smem:$0x3FB8] =	sst s10  }
0x35: {  	s10 =	sld [smem:$0x3FB7];
	_ =	sdelay $0x3  }
0x36: {  	p1 =	seq.s32 s10, $0x1;
	s10 =	sld [smem:$0x3FB8];
	_ =	sdelay $0x3  }
0x37: {  	[smem:$0x3FB8] =	sst s10  }
0x38: {  	s10 =	sld [smem:$0x3FB9]  }
0x39: {  	_ = 	snop;
	(pc) =	sbr.ind lr, $3  }
0x3a: {  	_ = 	snop  }
0x3b: {  	_ = 	snop  }
0x3c: {  	p2 =	seq.s32 s10, $0x1;
	s10 =	sld [smem:$0x3FB8]  }
0x3d: {  	_ =	shalt  }
0x3e: {  	_ =	shalt  }
0x3f: {  	_ =	shalt  }
0x40: {  	_ =	shalt  }
0x41: {  	_ =	shalt  }
0x42: {  	_ =	shalt  }
0x43: {  	_ =	shalt  }
0x44: {  	_ =	shalt  }
0x45: {  	_ =	shalt  }
0x46: {  	_ =	shalt  }
0x47: {  	_ =	shalt  }
0x48: {  	_ =	shalt  }
0x49: {  	_ =	shalt  }
0x4a: {  	_ =	shalt  }
0x4b: {  	_ =	shalt  }
0x4c: {  	_ =	shalt  }
0x4d: {  	_ =	shalt  }
0x4e: {  	_ =	shalt  }
0x4f: {  	_ =	shalt  }
0x50: {  	_ =	shalt  }
0x51: {  	_ =	shalt  }
0x52: {  	_ =	shalt  }
0x53: {  	_ =	shalt  }
0x54: {  	_ =	shalt  }
0x55: {  	_ =	shalt  }
0x56: {  	_ =	shalt  }
0x57: {  	_ =	shalt  }
0x58: {  	_ =	shalt  }
0x59: {  	_ =	shalt  }
0x5a: {  	_ =	shalt  }
0x5b: {  	_ =	shalt  }
0x5c: {  	_ =	shalt  }
0x5d: {  	_ =	shalt  }
0x5e: {  	_ =	shalt  }
0x5f: {  	_ =	shalt  }
0x60: {  	_ =	shalt  }
0x61: {  	_ =	shalt  }
0x62: {  	_ =	shalt  }
0x63: {  	_ =	shalt  }
0x64: {  	_ =	shalt  }
0x65: {  	_ =	shalt  }
0x66: {  	_ =	shalt  }
0x67: {  	_ =	shalt  }
0x68: {  	_ =	shalt  }
0x69: {  	_ =	shalt  }
0x6a: {  	_ =	shalt  }
0x6b: {  	_ =	shalt  }
0x6c: {  	_ =	shalt  }
0x6d: {  	_ =	shalt  }
0x6e: {  	_ =	shalt  }
0x6f: {  	_ =	shalt  }
0x70: {  	_ =	shalt  }
0x71: {  	_ =	shalt  }
0x72: {  	_ =	shalt  }
0x73: {  	_ =	shalt  }
0x74: {  	_ =	shalt  }
0x75: {  	_ =	shalt  }
0x76: {  	_ =	shalt  }
0x77: {  	_ =	shalt  }
0x78: {  	_ =	shalt  }
0x79: {  	_ =	shalt  }
0x7a: {  	_ =	shalt  }
0x7b: {  	_ =	shalt  }
0x7c: {  	_ =	shalt  }
0x7d: {  	_ =	shalt  }
0x7e: {  	_ =	shalt  }
0x7f: {  	_ =	shalt  }
0x80: {  	_ =	shalt  }
0x81: {  	_ =	shalt  }
0x82: {  	_ =	shalt  }
0x83: {  	_ =	shalt  }
0x84: {  	_ =	shalt  }
0x85: {  	_ =	shalt  }
0x86: {  	_ =	shalt  }
0x87: {  	_ =	shalt  }
.Lfunc_end0:
.L_simem_size_0:
called_computation_lowered:
.L_overlay_start_0:
0x88: {  	s2 =	sld [smem:$0x3FD9]  }
0x89: {  	s3 =	sld [smem:$0x3FFE];
	_ =	sdelay $0x1  }
0x8a: {  	s1 =	srdreg.scid  }
0x8b: {  	s0 =	sand.u32 $0x1, s1  }
0x8c: {  	s17 =	sshll.u32 s0, $0xA;
	s2 =	sadd.s32 s3, s2  }
0x8d: {  	s2 =	sadd.s32 s2, s17  }
0x8e: {  	[smem:$0x3FC4] =	sst s2  }
0x8f: {  	_ = 	snop  }
0x90: {  	s2 =	sld [smem:$0x3FC9]  }
0x91: {  	s18 =	sld [smem:$0x3FC8]  }
0x92: {  	s4 =	sld [smem:$0x3FD0];
	(tm) =	ssettm $0x1  }
0x93: {  	s5 =	sld [smem:$0x3FFB];
	_ =	sdelay $0x3  }
0x94: {  	_ =	strace s5  }
0x95: {  	s5 =	sld [smem:$0x3FFC];
	_ =	sdelay $0x3  }
0x96: {  	_ =	strace s5  }
0x97: {  	s5 =	sld [smem:$0x3FFD];
	_ =	sdelay $0x3  }
0x98: {  	_ =	strace s5  }
0x99: {  	_ =	strace $0x8FFFFFFF  }
0x9a: {  	s19 =	sld [smem:$0x3FDB];
	_ =	sdelay $0x1  }
0x9b: {  	s6 =	simm.s32 $_scs_section_size  }
0x9c: {  	s7 =	simm.s32 $_size__tile_overlayer_lowered;
	s8 =	simm.s32 $_tile_overlayer_lowered  }
0x9d: {  	s22 =	simm.s32 $0x1BFF;
	s21 =	sshll.u32 s8, $0x1;
	s5 =	sadd.s32 s6, s19  }
0x9e: {  	s9 =	simm.s32 $0x0;
	s20 =	sshll.u32 s7, $0x1;
	s7 =	sadd.s32 s21, s5  }
0x9f: {  	[timem:s9], [sflag:s22] =	dma.local [hbm:s7], s20  }
0xa0: {  	_ =	swait.ge [sflag:s22], s20  }
0xa1: {  	s6 =	ssub.s32 $0x0, s20;
	[sflag:s22] =	ssyncset.done $0x0  }
0xa2: {  	[sflag:s22] =	ssyncadd.s32 s6;
	_ =	sdelay $0x1  }
0xa3: {  	s23 =	simm.s32 $0x1B8B  }
0xa4: {  	_ =	swait.ge [sflag:s23], $0x1  }
0xa5: {  	[sflag:s23] =	ssyncset.done $0x0  }
0xa6: {  	s25 =	simm.s32 $0x1B8E;
	s24 =	sld [smem:$0x3FFE];
	[sflag:s23] =	ssyncadd.s32 $0xFFFFFFFF  }
0xa7: {  	s26 =	simm.s32 $execute0_lowered;
	[smem:$0x3FD2] =	sst s25  }
0xa8: {  	s7 =	sshll.u32 s26, $0x1;
	_ =	strace $0x80000046;
	[dreg:$0x1] =	wrdreg $0xFFFFFFFF  }
0xa9: {  	s28 =	simm.s32 $_size_execute0_lowered;
	s5 =	sadd.s32 s5, s7;
	[dreg:$0x0] =	wrdreg $0x0  }
0xaa: {  	s7 =	sshll.u32 s28, $0x1;
	[dreg:$0x2] =	wrdreg s5  }
0xab: {  	[dreg:$0x3] =	wrdreg s7  }
0xac: {  	[dreg:$0x4] =	wrdreg $0xC0  }
0xad: {  	_ =	task [dreg:s9], $0x5FFFF  }
0xae: {  	[dreg:$0x1] =	wrdreg $0xFFFFFFFF  }
0xaf: {  	[dreg:$0x0] =	wrdreg $0x60  }
0xb0: {  	[dreg:$0x2] =	wrdreg s2  }
0xb1: {  	[dreg:$0x3] =	wrdreg s18  }
0xb2: {  	[dreg:$0x4] =	wrdreg s24  }
0xb3: {  	[dreg:$0x5] =	wrdreg s4  }
0xb4: {  	[dreg:$0x6] =	wrdreg $0x9  }
0xb5: {  	_ =	task.clear_ibuf [dreg:s9], $0x7FFFF;
	_ =	strace $0x90000046  }
0xb6: {  	s29 =	simm.s32 $0x9;
	_ =	strace $0x80000048  }
0xb7: {  	_ =	swait.ge [sflag:s29], $0x1  }
0xb8: {  	[sflag:s29] =	ssyncadd.s32 $0xFFFFFFFF  }
0xb9: {  	_ =	strace $0x90000048  }
0xba: {  	_ =	sfence  }
0xbb: {  	s30 =	sld [smem:$0x0];
	_ =	sdelay $0x2  }
0xbc: {  	s31 =	sshll.u32 s1, $0xD;
	s1 =	sshrl.u32 s1, $0x2  }
0xbd: {  	s3 =	sand.u32 $0x4000, s31;
	s1 =	sadd.s32 s1, s30  }
0xbe: {  	s0 =	sor.u32 s3, s0;
	s1 =	sshll.u32 s1, $0x11  }
0xbf: {  	s0 =	sor.u32 s1, s0  }
0xc0: {  	s0 =	sadd.s32 $0x8F2B, s0  }
0xc1: {  	[sflag:s0] =	ssyncadd.remote.s32 $0x1  }
0xc2: {  	_ =	sfence.sel $0xFFFF  }
0xc3: {  	[dreg:$0x0] =	wrdreg $0xFFFFFFFF;
	(pc) =	sbr.abs _section_cstart, $3  }
0xc4: {  	[dreg:$0x1] =	wrdreg $0xFFFFFFFF  }
0xc5: {  	_ =	task.clear_ibuf [dreg:s9], $0x2FFFF;
	_ =	strace $0x9FFFFFFF  }
0xc6: {  	(tm) =	ssettm $0x7FFFFFFF  }
0xc7: {  	_ =	shalt  }
tec
execute0_lowered:
.L_overlay_start_1:
0x0: {  	(tag) =	ssettag $0x1  }
0x1: {  	s0 =	rddreg [dreg:$0x0]  }
0x2: {  	s1 =	rddreg [dreg:$0x1]  }
0x3: {  	s4 =	rddreg [dreg:$0x2]  }
0x4: {  	s5 =	rddreg [dreg:$0x3];
	s2 =	srdreg.scid  }
0x5: {  	s3 =	stileid.u32;
	s23 =	simm.s32 $0x600;
	s24 =	simm.s32 $0x680  }
0x6: {  	s25 =	simm.s32 $0x700;
	s26 =	simm.s32 $0x780;
	s28 =	simm.s32 $0xA  }
0x7: {  	s29 =	simm.s32 $0xE;
	s6 =	sand.u32 $0x1, s2;
	s2 =	simm.s32 $0x0  }
0x8: {  	s30 =	simm.s32 $0xB;
	s31 =	simm.s32 $0xF;
	[smem:$0x7FF] =	sst s2  }
0x9: {  	s3 =	sshll.u32 s3, $0x7;
	_ =	strace $0x80000047;
	[dreg:$0x11] =	wrdreg s23  }
0xa: {  	s7 =	sshll.u32 s6, $0x6;
	s19 =	ssub.s32 $0x2, s6;
	[dreg:$0x12] =	wrdreg s24  }
0xb: {  	s7 =	sor.u32 s7, s3;
	s6 =	sshrl.u32 s19, $0x1;
	[dreg:$0x13] =	wrdreg s25  }
0xc: {  	s23 =	simm.s32 $0x580;
	s24 =	simm.s32 $0x8;
	[dreg:$0x14] =	wrdreg s26  }
0xd: {  	s25 =	simm.s32 $0x9;
	s26 =	simm.s32 $0xD;
	s3 =	sadd.s32 s0, s7  }
0xe: {  	s12 =	sadd.s32 s1, s7;
	s8 =	sor.u32 $0x10, s7;
	[dreg:$0x5] =	wrdreg s3  }
0xf: {  	s9 =	sor.u32 $0x20, s7;
	s18 =	sadd.s32 s5, s7;
	[dreg:$0x6] =	wrdreg s12  }
0x10: {  	s10 =	sor.u32 $0x30, s7;
	s13 =	sadd.s32 s0, s8;
	[dreg:$0xd] =	wrdreg s18  }
0x11: {  	s7 =	simm.s32 $0x80;
	s14 =	sadd.s32 s1, s8;
	[dreg:$0x7] =	wrdreg s13  }
0x12: {  	s15 =	sadd.s32 s0, s9;
	s16 =	sadd.s32 s1, s9;
	[dreg:$0x8] =	wrdreg s14  }
0x13: {  	s0 =	sadd.s32 s0, s10;
	s17 =	sadd.s32 s1, s10;
	[dreg:$0x9] =	wrdreg s15  }
0x14: {  	s3 =	sadd.s32 $0x1F800, s4;
	s20 =	sadd.s32 s5, s8;
	[dreg:$0xa] =	wrdreg s16  }
0x15: {  	s21 =	sadd.s32 s5, s9;
	s1 =	ssub.s32 s19, s6;
	[dreg:$0xb] =	wrdreg s0  }
0x16: {  	s22 =	sadd.s32 s5, s10;
	s4 =	sadd.s32 $0xE00, s4;
	[dreg:$0xc] =	wrdreg s17  }
0x17: {  	s18 =	simm.s32 $0x6;
	s19 =	simm.s32 $0x3;
	[dreg:$0xe] =	wrdreg s20  }
0x18: {  	s6 =	simm.s32 $0x11;
	s12 =	simm.s32 $0x100;
	[dreg:$0xf] =	wrdreg s21  }
0x19: {  	[dreg:$0x10] =	wrdreg s22;
	s5 =	smax.u32 s1, $0x1;
	s13 =	simm.s32 $0x1  }
0x1a: {  	s15 =	simm.s32 $0x5;
	s16 =	simm.s32 $0x2;
	s21 =	simm.s32 $0x7  }
0x1b: {  	s22 =	simm.s32 $0x4;
	s0 =	simm.s32 $0xC;
	s1 =	simm.s32 $0x10  }
0x1c: {  	s14 =	simm.s32 $0x300;
	s17 =	simm.s32 $0x180;
	s20 =	simm.s32 $0x380  }
.LBB2_1:
0x1d: {  	s8 =	rddreg [dreg:$0x5]  }
0x1e: {  	[tilespmem:s2], [sflag:$0x1] =	stream.linear.gather [hbm4b:s8+s2], $0x80, $0x38;
	[tilespmem:$0x800] =	vst v63  }
0x1f: {  	s9 =	rddreg [dreg:$0x6];
	s10 =	simm.s32 $0x200  }
0x20: {  	[tilespmem:s10], [sflag:$0x5] =	stream.linear.gather [hbm4b:s9+s2], $0x80, $0x38;
	[tilespmem:$0x800] =	vst v63  }
0x21: {  	s11 =	rddreg [dreg:$0x7]  }
0x22: {  	[tilespmem:s7], [sflag:$0x2] =	stream.linear.gather [hbm4b:s11+s2], $0x80, $0x38;
	[tilespmem:$0x800] =	vst v63  }
0x23: {  	s9 =	rddreg [dreg:$0x8];
	s11 =	simm.s32 $0x280  }
0x24: {  	[tilespmem:s11], [sflag:$0x6] =	stream.linear.gather [hbm4b:s9+s2], $0x80, $0x38;
	[tilespmem:$0x800] =	vst v63  }
0x25: {  	s8 =	rddreg [dreg:$0x9]  }
0x26: {  	[tilespmem:s12], [sflag:$0x3] =	stream.linear.gather [hbm4b:s8+s2], $0x80, $0x38;
	[tilespmem:$0x800] =	vst v63  }
0x27: {  	s9 =	rddreg [dreg:$0xa]  }
0x28: {  	[tilespmem:s14], [sflag:$0x7] =	stream.linear.gather [hbm4b:s9+s2], $0x80, $0x38;
	[tilespmem:$0x800] =	vst v63  }
0x29: {  	s8 =	rddreg [dreg:$0xb]  }
0x2a: {  	[tilespmem:s17], [sflag:$0x4] =	stream.linear.gather [hbm4b:s8+s2], $0x80, $0x38;
	[tilespmem:$0x800] =	vst v63  }
0x2b: {  	s9 =	rddreg [dreg:$0xc]  }
0x2c: {  	[tilespmem:s20], [sflag:$0x8] =	stream.linear.gather [hbm4b:s9+s2], $0x80, $0x38;
	[tilespmem:$0x800] =	vst v63  }
0x2d: {  	_ =	swait.ge [sflag:s13], $0x80  }
0x2e: {  	[sflag:s13] =	ssyncset.done $0x0  }
0x2f: {  	s9 =	simm.s32 $0x400;
	[sflag:s13] =	ssyncadd.s32 $0xFFFFFF80  }
0x30: {  	[tilespmem:s9], [sflag:$0x9] =	stream.indirect.gather [hbm4b:s3+s7], $0x1, s2, s7, $0xb8;
	[tilespmem:$0x800] =	vst v63  }
0x31: {  	_ =	swait.ge [sflag:s15], $0x80  }
0x32: {  	[sflag:s15] =	ssyncset.done $0x0  }
0x33: {  	s8 =	rddreg [dreg:$0x11];
	[sflag:s15] =	ssyncadd.s32 $0xFFFFFF80  }
0x34: {  	[tilespmem:s8], [sflag:$0xD] =	stream.indirect.gather [hbm4b:s4+s7], $0x1, s10, s7, $0xb8;
	[tilespmem:$0x800] =	vst v63  }
0x35: {  	_ =	swait.ge [sflag:s16], $0x80  }
0x36: {  	[sflag:s16] =	ssyncset.done $0x0  }
0x37: {  	s10 =	simm.s32 $0x480;
	[sflag:s16] =	ssyncadd.s32 $0xFFFFFF80  }
0x38: {  	[tilespmem:s10], [sflag:$0xA] =	stream.indirect.gather [hbm4b:s3+s7], $0x1, s7, s7, $0xb8;
	[tilespmem:$0x800] =	vst v63  }
0x39: {  	_ =	swait.ge [sflag:s18], $0x80  }
0x3a: {  	[sflag:s18] =	ssyncset.done $0x0  }
0x3b: {  	s8 =	rddreg [dreg:$0x12];
	[sflag:s18] =	ssyncadd.s32 $0xFFFFFF80  }
0x3c: {  	[tilespmem:s8], [sflag:$0xE] =	stream.indirect.gather [hbm4b:s4+s7], $0x1, s11, s7, $0xb8;
	[tilespmem:$0x800] =	vst v63  }
0x3d: {  	_ =	swait.ge [sflag:s19], $0x80  }
0x3e: {  	[sflag:s19] =	ssyncset.done $0x0  }
0x3f: {  	s11 =	simm.s32 $0x500;
	[sflag:s19] =	ssyncadd.s32 $0xFFFFFF80  }
0x40: {  	[tilespmem:s11], [sflag:$0xB] =	stream.indirect.gather [hbm4b:s3+s7], $0x1, s12, s7, $0xb8;
	[tilespmem:$0x800] =	vst v63  }
0x41: {  	_ =	swait.ge [sflag:s21], $0x80  }
0x42: {  	[sflag:s21] =	ssyncset.done $0x0  }
0x43: {  	s8 =	rddreg [dreg:$0x13];
	[sflag:s21] =	ssyncadd.s32 $0xFFFFFF80  }
0x44: {  	[tilespmem:s8], [sflag:$0xF] =	stream.indirect.gather [hbm4b:s4+s7], $0x1, s14, s7, $0xb8;
	[tilespmem:$0x800] =	vst v63  }
0x45: {  	_ =	swait.ge [sflag:s22], $0x80  }
0x46: {  	[sflag:s22] =	ssyncset.done $0x0  }
0x47: {  	[sflag:s22] =	ssyncadd.s32 $0xFFFFFF80  }
0x48: {  	[tilespmem:s23], [sflag:$0xC] =	stream.indirect.gather [hbm4b:s3+s7], $0x1, s17, s7, $0xb8;
	[tilespmem:$0x800] =	vst v63  }
0x49: {  	_ =	swait.ge [sflag:s24], $0x80  }
0x4a: {  	[sflag:s24] =	ssyncset.done $0x0  }
0x4b: {  	s8 =	rddreg [dreg:$0x14];
	[sflag:s24] =	ssyncadd.s32 $0xFFFFFF80  }
0x4c: {  	[tilespmem:s8], [sflag:$0x10] =	stream.indirect.gather [hbm4b:s4+s7], $0x1, s20, s7, $0xb8;
	[tilespmem:$0x800] =	vst v63  }
0x4d: {  	_ =	swait.ge [sflag:s25], $0x80  }
0x4e: {  	[sflag:s25] =	ssyncset.done $0x0  }
0x4f: {  	[sflag:s25] =	ssyncadd.s32 $0xFFFFFF80  }
0x50: {  	_ =	swait.ge [sflag:s26], $0x80  }
0x51: {  	[sflag:s26] =	ssyncset.done $0x0  }
0x52: {  	[sflag:s26] =	ssyncadd.s32 $0xFFFFFF80  }
0x53: {  	v0 =	vld [tilespmem:$0x400]  }
0x54: {  	v1 =	vld [tilespmem:$0x600]  }
0x55: {  	v2 =	vld [tilespmem:$0x410]  }
0x56: {  	v3 =	vld [tilespmem:$0x610]  }
0x57: {  	v4 =	vld [tilespmem:$0x420]  }
0x58: {  	v5 =	vld [tilespmem:$0x620]  }
0x59: {  	v6 =	vld [tilespmem:$0x430]  }
0x5a: {  	v7 =	vld [tilespmem:$0x630]  }
0x5b: {  	v8 =	vld [tilespmem:$0x440]  }
0x5c: {  	v9 =	vld [tilespmem:$0x640]  }
0x5d: {  	v10 =	vld [tilespmem:$0x450]  }
0x5e: {  	v11 =	vld [tilespmem:$0x650]  }
0x5f: {  	v12 =	vld [tilespmem:$0x460]  }
0x60: {  	v40 =	vld [tilespmem:$0x660];
	v0 =	vsub.f32 v0, v1  }
0x61: {  	v41 =	vld [tilespmem:$0x470];
	v2 =	vsub.f32 v2, v3  }
0x62: {  	v43 =	vld [tilespmem:$0x670];
	v42 =	vsub.f32 v4, v5;
	[tilespmem:$0x400] =	vst v0  }
0x63: {  	v44 =	vsub.f32 v6, v7;
	[tilespmem:$0x410] =	vst v2  }
0x64: {  	v45 =	vsub.f32 v8, v9;
	[tilespmem:$0x420] =	vst v42  }
0x65: {  	v46 =	vsub.f32 v10, v11;
	[tilespmem:$0x430] =	vst v44  }
0x66: {  	v47 =	vsub.f32 v12, v40;
	[tilespmem:$0x440] =	vst v45  }
0x67: {  	v48 =	vsub.f32 v41, v43;
	[tilespmem:$0x450] =	vst v46  }
0x68: {  	[tilespmem:$0x460] =	vst v47  }
0x69: {  	s8 =	rddreg [dreg:$0xd];
	[tilespmem:$0x470] =	vst v48  }
0x6a: {  	[hbm4b:s8+s2] =	stream.linear.scatter [tilespmem:s9], [sflag:$0x11], $0x80, $0x38;
	[tilespmem:$0x800] =	vst v63  }
0x6b: {  	_ =	swait.ge [sflag:s28], $0x80  }
0x6c: {  	[sflag:s28] =	ssyncset.done $0x0  }
0x6d: {  	[sflag:s28] =	ssyncadd.s32 $0xFFFFFF80  }
0x6e: {  	_ =	swait.ge [sflag:s29], $0x80  }
0x6f: {  	[sflag:s29] =	ssyncset.done $0x0  }
0x70: {  	[sflag:s29] =	ssyncadd.s32 $0xFFFFFF80  }
0x71: {  	v49 =	vld [tilespmem:$0x480]  }
0x72: {  	v50 =	vld [tilespmem:$0x680]  }
0x73: {  	v51 =	vld [tilespmem:$0x490]  }
0x74: {  	v52 =	vld [tilespmem:$0x690]  }
0x75: {  	v53 =	vld [tilespmem:$0x4A0]  }
0x76: {  	v54 =	vld [tilespmem:$0x6A0]  }
0x77: {  	v55 =	vld [tilespmem:$0x4B0]  }
0x78: {  	v56 =	vld [tilespmem:$0x6B0]  }
0x79: {  	v57 =	vld [tilespmem:$0x4C0]  }
0x7a: {  	v58 =	vld [tilespmem:$0x6C0]  }
0x7b: {  	v59 =	vld [tilespmem:$0x4D0]  }
0x7c: {  	v60 =	vld [tilespmem:$0x6D0]  }
0x7d: {  	v61 =	vld [tilespmem:$0x4E0]  }
0x7e: {  	v62 =	vld [tilespmem:$0x6E0];
	v0 =	vsub.f32 v49, v50  }
0x7f: {  	v63 =	vld [tilespmem:$0x4F0];
	v2 =	vsub.f32 v51, v52  }
0x80: {  	v14 =	vld [tilespmem:$0x6F0];
	v13 =	vsub.f32 v53, v54;
	[tilespmem:$0x480] =	vst v0  }
0x81: {  	v15 =	vsub.f32 v55, v56;
	[tilespmem:$0x490] =	vst v2  }
0x82: {  	v16 =	vsub.f32 v57, v58;
	[tilespmem:$0x4A0] =	vst v13  }
0x83: {  	v17 =	vsub.f32 v59, v60;
	[tilespmem:$0x4B0] =	vst v15  }
0x84: {  	v18 =	vsub.f32 v61, v62;
	[tilespmem:$0x4C0] =	vst v16  }
0x85: {  	v19 =	vsub.f32 v63, v14;
	[tilespmem:$0x4D0] =	vst v17  }
0x86: {  	[tilespmem:$0x4E0] =	vst v18  }
0x87: {  	s9 =	rddreg [dreg:$0xe];
	[tilespmem:$0x4F0] =	vst v19  }
0x88: {  	[hbm4b:s9+s2] =	stream.linear.scatter [tilespmem:s10], [sflag:$0x11], $0x80, $0x38;
	[tilespmem:$0x800] =	vst v63  }
0x89: {  	_ =	swait.ge [sflag:s30], $0x80  }
0x8a: {  	[sflag:s30] =	ssyncset.done $0x0  }
0x8b: {  	[sflag:s30] =	ssyncadd.s32 $0xFFFFFF80  }
0x8c: {  	_ =	swait.ge [sflag:s31], $0x80  }
0x8d: {  	[sflag:s31] =	ssyncset.done $0x0  }
0x8e: {  	[sflag:s31] =	ssyncadd.s32 $0xFFFFFF80  }
0x8f: {  	v20 =	vld [tilespmem:$0x500]  }
0x90: {  	v21 =	vld [tilespmem:$0x700]  }
0x91: {  	v22 =	vld [tilespmem:$0x510]  }
0x92: {  	v23 =	vld [tilespmem:$0x710]  }
0x93: {  	v24 =	vld [tilespmem:$0x520]  }
0x94: {  	v25 =	vld [tilespmem:$0x720]  }
0x95: {  	v26 =	vld [tilespmem:$0x530]  }
0x96: {  	v27 =	vld [tilespmem:$0x730]  }
0x97: {  	v28 =	vld [tilespmem:$0x540]  }
0x98: {  	v29 =	vld [tilespmem:$0x740]  }
0x99: {  	v30 =	vld [tilespmem:$0x550]  }
0x9a: {  	v31 =	vld [tilespmem:$0x750]  }
0x9b: {  	v32 =	vld [tilespmem:$0x560]  }
0x9c: {  	v33 =	vld [tilespmem:$0x760];
	v0 =	vsub.f32 v20, v21  }
0x9d: {  	v34 =	vld [tilespmem:$0x570];
	v2 =	vsub.f32 v22, v23  }
0x9e: {  	v36 =	vld [tilespmem:$0x770];
	v35 =	vsub.f32 v24, v25;
	[tilespmem:$0x500] =	vst v0  }
0x9f: {  	v37 =	vsub.f32 v26, v27;
	[tilespmem:$0x510] =	vst v2  }
0xa0: {  	v38 =	vsub.f32 v28, v29;
	[tilespmem:$0x520] =	vst v35  }
0xa1: {  	v39 =	vsub.f32 v30, v31;
	[tilespmem:$0x530] =	vst v37  }
0xa2: {  	v40 =	vsub.f32 v32, v33;
	[tilespmem:$0x540] =	vst v38  }
0xa3: {  	v41 =	vsub.f32 v34, v36;
	[tilespmem:$0x550] =	vst v39  }
0xa4: {  	[tilespmem:$0x560] =	vst v40  }
0xa5: {  	s10 =	rddreg [dreg:$0xf];
	[tilespmem:$0x570] =	vst v41  }
0xa6: {  	[hbm4b:s10+s2] =	stream.linear.scatter [tilespmem:s11], [sflag:$0x11], $0x80, $0x38;
	[tilespmem:$0x800] =	vst v63  }
0xa7: {  	_ =	swait.ge [sflag:s0], $0x80  }
0xa8: {  	[sflag:s0] =	ssyncset.done $0x0  }
0xa9: {  	[sflag:s0] =	ssyncadd.s32 $0xFFFFFF80  }
0xaa: {  	_ =	swait.ge [sflag:s1], $0x80  }
0xab: {  	[sflag:s1] =	ssyncset.done $0x0  }
0xac: {  	[sflag:s1] =	ssyncadd.s32 $0xFFFFFF80  }
0xad: {  	v42 =	vld [tilespmem:$0x580]  }
0xae: {  	v43 =	vld [tilespmem:$0x780]  }
0xaf: {  	v44 =	vld [tilespmem:$0x590]  }
0xb0: {  	v45 =	vld [tilespmem:$0x790]  }
0xb1: {  	v46 =	vld [tilespmem:$0x5A0]  }
0xb2: {  	v47 =	vld [tilespmem:$0x7A0]  }
0xb3: {  	v48 =	vld [tilespmem:$0x5B0]  }
0xb4: {  	v49 =	vld [tilespmem:$0x7B0]  }
0xb5: {  	v50 =	vld [tilespmem:$0x5C0]  }
0xb6: {  	v51 =	vld [tilespmem:$0x7C0]  }
0xb7: {  	v52 =	vld [tilespmem:$0x5D0]  }
0xb8: {  	v53 =	vld [tilespmem:$0x7D0]  }
0xb9: {  	v54 =	vld [tilespmem:$0x5E0]  }
0xba: {  	v55 =	vld [tilespmem:$0x7E0];
	v0 =	vsub.f32 v42, v43  }
0xbb: {  	v56 =	vld [tilespmem:$0x5F0];
	v2 =	vsub.f32 v44, v45  }
0xbc: {  	v58 =	vld [tilespmem:$0x7F0];
	v57 =	vsub.f32 v46, v47;
	[tilespmem:$0x580] =	vst v0  }
0xbd: {  	v59 =	vsub.f32 v48, v49;
	[tilespmem:$0x590] =	vst v2  }
0xbe: {  	v60 =	vsub.f32 v50, v51;
	[tilespmem:$0x5A0] =	vst v57  }
0xbf: {  	v61 =	vsub.f32 v52, v53;
	[tilespmem:$0x5B0] =	vst v59  }
0xc0: {  	v62 =	vsub.f32 v54, v55;
	[tilespmem:$0x5C0] =	vst v60  }
0xc1: {  	v63 =	vsub.f32 v56, v58;
	[tilespmem:$0x5D0] =	vst v61  }
0xc2: {  	[tilespmem:$0x5E0] =	vst v62  }
0xc3: {  	s11 =	rddreg [dreg:$0x10];
	[tilespmem:$0x5F0] =	vst v63  }
0xc4: {  	[hbm4b:s11+s2] =	stream.linear.scatter [tilespmem:s23], [sflag:$0x11], $0x80, $0x38;
	[tilespmem:$0x800] =	vst v63  }
0xc5: {  	_ =	swait.ge [sflag:s6], $0x80  }
0xc6: {  	[sflag:s6] =	ssyncset.done $0x0  }
0xc7: {  	[sflag:s6] =	ssyncadd.s32 $0xFFFFFF80  }
0xc8: {  	_ =	swait.ge [sflag:s6], $0x80  }
0xc9: {  	[sflag:s6] =	ssyncset.done $0x0  }
0xca: {  	[sflag:s6] =	ssyncadd.s32 $0xFFFFFF80  }
0xcb: {  	p0 =	sne.s32 s5, $0x1;
	_ =	swait.ge [sflag:s6], $0x80  }
.Ltmp0:
0xcc: {  	[sflag:s6] =	ssyncset.done $0x0;
	(pc) =	sbr.rel @p0 .LBB2_1-.Ltmp0, $4  }
0xcd: {  	[sflag:s6] =	ssyncadd.s32 $0xFFFFFF80  }
0xce: {  	_ =	swait.ge [sflag:s6], $0x80  }
0xcf: {  	[sflag:s6] =	ssyncset.done $0x0  }
0xd0: {  	s5 =	sadd.s32 $0xFFFFFFFF, s5;
	[sflag:s6] =	ssyncadd.s32 $0xFFFFFF80  }
0xd1: {  	_ =	sfence.sel $0x180000  }
0xd2: {  	[bflag:$0x0] =	sbarrier.arrive $0xFFFF  }
0xd3: {  	_ =	strace $0x90000047  }
0xd4: {  	s0 =	stileid.u32;
	[bflag:$0x2] =	sbarrier.arrive $0xFFFF  }
0xd5: {  	p0 =	sne.s32 s0, $0x0;
	s0 =	rddreg [dreg:$0x4]  }
0xd6: {  	s0 =	sadd.s32 @!p0 $0x100000, s0  }
0xd7: {  	[sflag:s0] =	ssyncadd.tile.s32 @!p0 $0x1;
	_ =	shalt  }
.Lfunc_end2:
_tile_overlayer_lowered:
.L_overlay_start_2:
0xd8: {  	(tag) =	ssettag $0x2  }
0xd9: {  	s0 =	rddreg [dreg:$0x0];
	s2 =	stileid.u32  }
0xda: {  	s1 =	rddreg [dreg:$0x1];
	p0 =	sne.s32 s2, $0x0  }
0xdb: {  	s3 =	rddreg [dreg:$0x2];
	[bflag:$0x3] =	sbarrier.arrive $0xFFFF;
	s2 =	simm.s32 @!p0 $0x1C12  }
0xdc: {  	[timem:s3], [sflag:s2] =	dma.local @!p0 [hbm:s0], s1  }
0xdd: {  	s0 =	simm.s32 @!p0 $0x12  }
0xde: {  	_ =	swait.ge @!p0 [sflag:s0], s1  }
0xdf: {  	s1 =	ssub.s32 @!p0 $0x0, s1;
	[sflag:s0] =	ssyncset.done @!p0 $0x0  }
0xe0: {  	[sflag:s0] =	ssyncadd.s32 @!p0 s1  }
0xe1: {  	[bflag:$0x3] =	sbarrier.arrive $0xFFFF  }
0xe2: {  	_ =	shalt  }

</sc_bundles>
